<compile_context>
chip_gen: v7x
topology: tpu7x:2x2x1
jax: 0.10.2.dev20260603
libtpu: 0.0.44.dev20260713+nightly
codegen_flags: <defaults>
</compile_context>

<pallas_src>
import functools

import jax
import jax.numpy as jnp
from jax import lax
from jax.experimental import pallas as pl
from jax.experimental.pallas import tpu as pltpu
from jax.experimental.pallas import tpu_sc as plsc

N_NODES = 10000
N_EDGES = 320000
D_FEAT = 128
DH = D_FEAT // 2

NC, NS = 2, 16
NW = NC * NS
CHUNK = 96
NBUF = 2
NCHUNK = 106
EPT = NCHUNK * CHUNK
PAD_EDGES = NW * EPT
ROWS_PAD = 10112
RPT = ROWS_PAD // NS
DUMMY_DST = N_NODES


def _scale_body(nf_ref, d_ref, o_ref):
    o_ref[0] = nf_ref[:, :DH] * d_ref[...]
    o_ref[1] = nf_ref[:, DH:] * d_ref[...]


def _combine_body(p_ref, dg_ref, o_ref):
    o_ref[:, :DH] = (p_ref[0, 0] + p_ref[0, 1]) * dg_ref[...]
    o_ref[:, DH:] = (p_ref[1, 0] + p_ref[1, 1]) * dg_ref[...]


_sc_mesh = plsc.VectorSubcoreMesh(core_axis_name="c", subcore_axis_name="s")


@functools.partial(
    pl.kernel,
    out_type=jax.ShapeDtypeStruct((2, NC, ROWS_PAD, DH), jnp.float32),
    mesh=_sc_mesh,
    scratch_types=[
        pltpu.VMEM((NCHUNK + NBUF, CHUNK), jnp.int32),
        pltpu.VMEM((NCHUNK, CHUNK), jnp.int32),
        [pltpu.VMEM((CHUNK, DH // 2), jnp.int32)] * NBUF,
        [pltpu.VMEM((CHUNK, DH), jnp.float32)] * NBUF,
        pltpu.VMEM_SHARED((ROWS_PAD, DH), jnp.float32),
        [pltpu.SemaphoreType.DMA] * NBUF,
        [pltpu.SemaphoreType.DMA] * NBUF,
    ],
    compiler_params=pltpu.CompilerParams(use_tc_tiling_on_sc=False,
                                         needs_layout_passes=False),
)
def _sc_aggregate(x_hbm, src_hbm, dst_hbm, zeros_hbm, out_hbm,
                  src_v, dst_v, rows, conv, acc, gsems, ssems):
    cid = lax.axis_index("c")
    sid = lax.axis_index("s")

    pltpu.sync_copy(src_hbm.at[cid, sid], src_v)
    pltpu.sync_copy(dst_hbm.at[cid, sid], dst_v)

    for p in range(2):
        pltpu.sync_copy(zeros_hbm.at[pl.ds(sid * RPT, RPT)],
                        acc.at[pl.ds(sid * RPT, RPT)])
        plsc.subcore_barrier()

        xp = x_hbm.at[p]

        def widen(rb, cb):
            def _conv4(r4, c2):
                for u in range(4):
                    r = 4 * r4 + u
                    for k in range(DH // 32):
                        w = rb[r, pl.ds(16 * k, 16)]
                        cb[r, pl.ds(32 * k, 16)] = plsc.bitcast(
                            jnp.left_shift(w, 16), jnp.float32)
                        cb[r, pl.ds(32 * k + 16, 16)] = plsc.bitcast(
                            jnp.bitwise_and(w, jnp.int32(-65536)), jnp.float32)
                return c2
            lax.fori_loop(0, CHUNK // 4, _conv4, 0)

        for b in range(NBUF):
            pltpu.async_copy(xp.at[src_v.at[b]], rows[b], gsems[b])

        def step(q, carry):
            g0 = NBUF * q
            for b in range(NBUF):
                pltpu.make_async_copy(xp.at[src_v.at[g0 + b]],
                                      rows[b], gsems[b]).wait()
                widen(rows[b], conv[b])
                pltpu.async_copy(xp.at[src_v.at[g0 + NBUF + b]],
                                 rows[b], gsems[b])
                pltpu.sync_copy(conv[b], acc.at[dst_v.at[g0 + b]], add=True)
            return carry

        lax.fori_loop(0, NCHUNK // NBUF, step, 0)
        for b in range(NBUF):
            pltpu.make_async_copy(xp.at[src_v.at[NCHUNK + b]],
                                  rows[b], gsems[b]).wait()

        plsc.subcore_barrier()
        pltpu.sync_copy(acc.at[pl.ds(sid * RPT, RPT)],
                        out_hbm.at[p, cid, pl.ds(sid * RPT, RPT)])


def kernel(node_f, out_d, in_dg, edge_index):
    ei = edge_index.astype(jnp.int32)
    src = jnp.concatenate(
        [ei[0], jnp.zeros((PAD_EDGES - N_EDGES,), jnp.int32)])
    dst = jnp.concatenate(
        [ei[1], jnp.full((PAD_EDGES - N_EDGES,), DUMMY_DST, jnp.int32)])
    src = src.reshape(NC, NS, NCHUNK, CHUNK)
    src = jnp.concatenate(
        [src, jnp.zeros((NC, NS, NBUF, CHUNK), jnp.int32)], axis=2)
    dst = dst.reshape(NC, NS, NCHUNK, CHUNK)
    zeros = jnp.zeros((ROWS_PAD, DH), jnp.float32)

    x = pl.pallas_call(
        _scale_body,
        out_shape=jax.ShapeDtypeStruct((2, N_NODES, DH), jnp.float32),
    )(node_f, out_d)

    x16 = (x.reshape(2, N_NODES, DH // 32, 2, 16)
             .transpose(0, 1, 2, 4, 3)
             .reshape(2, N_NODES, DH // 2, 2)
             .astype(jnp.bfloat16))
    xpacked = jax.lax.bitcast_convert_type(x16, jnp.int32)

    partials = _sc_aggregate(xpacked, src, dst, zeros)

    rst = pl.pallas_call(
        _combine_body,
        out_shape=jax.ShapeDtypeStruct((N_NODES, D_FEAT), jnp.float32),
    )(partials[:, :, :N_NODES], in_dg)
    return rst

# --- scband reference (transcript-rebuilt; emitter-appended) ---
"""Pipeline reference for scband-gcnlayer-91250875171357 (READ-ONLY COPY).

The authoritative reference and input builder live on the scoring server;
editing this copy changes nothing except your own understanding.
"""

import jax, jax.numpy as jnp
import numpy as np

N_NODES = 10000
N_EDGES = 320000
D_FEAT = 128


def setup_inputs(seed: int = 0) -> dict:
    key = jax.random.key(seed)
    k1, k2, k3, k4 = jax.random.split(key, 4)
    node_f = jax.random.normal(k1, (N_NODES, D_FEAT), dtype=jnp.float32)
    # degree-based normalization tensors (positive), shape [N, 1] so they broadcast over features
    out_d = jax.random.uniform(k2, (N_NODES, 1), dtype=jnp.float32, minval=0.05, maxval=1.0)
    in_dg = jax.random.uniform(k3, (N_NODES, 1), dtype=jnp.float32, minval=0.05, maxval=1.0)
    edge_index = jax.random.randint(k4, (2, N_EDGES), 0, N_NODES, dtype=jnp.int64)
    return {"node_f": node_f, "out_d": out_d, "in_dg": in_dg, "edge_index": edge_index}


def reference(node_f, out_d, in_dg, edge_index):
    # Faithful translation of the DGL GCNLayer.forward:
    #   node_f = node_f * out_d                 (source-side normalization)
    #   update_all(copy_src -> sum)             (gather from src, scatter-add to dst)
    #   rst = rst * in_dg                       (destination-side normalization)
    src = edge_index[0]
    dst = edge_index[1]
    x = node_f * out_d
    msgs = jnp.take(x, src, axis=0)                      # gather: copy_src
    agg = jax.ops.segment_sum(msgs, dst, num_segments=N_NODES)  # reduce: sum at dst
    rst = agg * in_dg
    return rst

if __name__ == "__main__":
    import jax
    _d = setup_inputs()
    print(jax.jit(kernel)(*tuple(_d.values())))

</pallas_src>

<mosaic_0001>
#map = affine_map<(d0, d1) -> (0, 0, 0)>
#map1 = affine_map<(d0, d1) -> (0, 0, 0, 0)>
#map2 = affine_map<(d0, d1) -> (0, 0)>
module attributes {stable_mosaic.version = 14 : i64} {
  func.func @_sc_aggregate(%arg0: i32, %arg1: i32, %arg2: memref<2x10000x32xi32, #tpu.memory_space<hbm>>, %arg3: memref<2x16x108x96xi32, #tpu.memory_space<hbm>>, %arg4: memref<2x16x106x96xi32, #tpu.memory_space<hbm>>, %arg5: memref<10112x64xf32, #tpu.memory_space<hbm>>, %arg6: memref<2x2x10112x64xf32, #tpu.memory_space<hbm>>, %arg7: memref<108x96xi32, #tpu.memory_space<vmem>>, %arg8: memref<106x96xi32, #tpu.memory_space<vmem>>, %arg9: memref<96x32xi32, #tpu.memory_space<vmem>>, %arg10: memref<96x32xi32, #tpu.memory_space<vmem>>, %arg11: memref<96x64xf32, #tpu.memory_space<vmem>>, %arg12: memref<96x64xf32, #tpu.memory_space<vmem>>, %arg13: memref<10112x64xf32, #tpu.memory_space<vmem_shared>>, %arg14: memref<!tpu.dma_semaphore, #tpu.memory_space<semaphore_mem>>, %arg15: memref<!tpu.dma_semaphore, #tpu.memory_space<semaphore_mem>>, %arg16: memref<!tpu.dma_semaphore, #tpu.memory_space<semaphore_mem>>, %arg17: memref<!tpu.dma_semaphore, #tpu.memory_space<semaphore_mem>>) attributes {dimension_semantics = [#tpu.dimension_semantics<core_parallel>, #tpu.dimension_semantics<subcore_parallel>], iteration_bounds = array<i64: 2, 16>, scalar_prefetch = 0 : i64, scratch_operands = 11 : i64, tpu.core_type = #tpu.core_type<sc_vector_subcore>, window_params = [{transform_indices = #map}, {transform_indices = #map1}, {transform_indices = #map1}, {transform_indices = #map2}, {transform_indices = #map1}]} {
    "tpu.region"() ({
      %run_scoped3A_126 = tpu.sem_alloc : memref<!tpu.dma_semaphore, #tpu.memory_space<semaphore_mem>>
      %dma_start3A_127 = arith.constant 0 : i32
      %dma_start3A_128 = arith.constant 0 : i32
      %dma_start3A_129 = tpu.memref_slice %arg3[%arg0, %arg1, %dma_start3A_127, %dma_start3A_128] : memref<2x16x108x96xi32, #tpu.memory_space<hbm>> -> memref<1x1x108x96xi32, #tpu.memory_space<hbm>>
      %dma_start3A_130 = tpu.memref_squeeze %dma_start3A_129 : memref<1x1x108x96xi32, #tpu.memory_space<hbm>> -> memref<108x96xi32, #tpu.memory_space<hbm>>
      %dma_start3A_131 = arith.constant 0 : i32
      %dma_start3A_132 = arith.constant 0 : i32
      %dma_start3A_133 = tpu.memref_slice %arg3[%arg0, %arg1, %dma_start3A_131, %dma_start3A_132] : memref<2x16x108x96xi32, #tpu.memory_space<hbm>> -> memref<1x1x108x96xi32, #tpu.memory_space<hbm>>
      %dma_start3A_134 = tpu.memref_squeeze %dma_start3A_133 : memref<1x1x108x96xi32, #tpu.memory_space<hbm>> -> memref<108x96xi32, #tpu.memory_space<hbm>>
      tpu.enqueue_dma source(%dma_start3A_134 : memref<108x96xi32, #tpu.memory_space<hbm>>) target(%arg7 : memref<108x96xi32, #tpu.memory_space<vmem>>) target_semaphore(%run_scoped3A_126 : memref<!tpu.dma_semaphore, #tpu.memory_space<semaphore_mem>>)
      %dma_wait3A_135 = arith.constant 0 : i32
      %dma_wait3A_136 = arith.constant 0 : i32
      %dma_wait3A_137 = tpu.memref_slice %arg3[%arg0, %arg1, %dma_wait3A_135, %dma_wait3A_136] : memref<2x16x108x96xi32, #tpu.memory_space<hbm>> -> memref<1x1x108x96xi32, #tpu.memory_space<hbm>>
      %dma_wait3A_138 = tpu.memref_squeeze %dma_wait3A_137 : memref<1x1x108x96xi32, #tpu.memory_space<hbm>> -> memref<108x96xi32, #tpu.memory_space<hbm>>
      %dma_wait3A_139 = arith.constant 0 : i32
      %dma_wait3A_140 = arith.constant 0 : i32
      %dma_wait3A_141 = tpu.memref_slice %arg3[%arg0, %arg1, %dma_wait3A_139, %dma_wait3A_140] : memref<2x16x108x96xi32, #tpu.memory_space<hbm>> -> memref<1x1x108x96xi32, #tpu.memory_space<hbm>>
      %dma_wait3A_142 = tpu.memref_squeeze %dma_wait3A_141 : memref<1x1x108x96xi32, #tpu.memory_space<hbm>> -> memref<108x96xi32, #tpu.memory_space<hbm>>
      tpu.wait_dma2 semaphore(%run_scoped3A_126 : memref<!tpu.dma_semaphore, #tpu.memory_space<semaphore_mem>>) src(%dma_wait3A_142 : memref<108x96xi32, #tpu.memory_space<hbm>>) dst(%arg7 : memref<108x96xi32, #tpu.memory_space<vmem>>)
      tpu.yield
    }) : () -> ()
    "tpu.region"() ({
      %run_scoped3A_126 = tpu.sem_alloc : memref<!tpu.dma_semaphore, #tpu.memory_space<semaphore_mem>>
      %dma_start3A_127 = arith.constant 0 : i32
      %dma_start3A_128 = arith.constant 0 : i32
      %dma_start3A_129 = tpu.memref_slice %arg4[%arg0, %arg1, %dma_start3A_127, %dma_start3A_128] : memref<2x16x106x96xi32, #tpu.memory_space<hbm>> -> memref<1x1x106x96xi32, #tpu.memory_space<hbm>>
      %dma_start3A_130 = tpu.memref_squeeze %dma_start3A_129 : memref<1x1x106x96xi32, #tpu.memory_space<hbm>> -> memref<106x96xi32, #tpu.memory_space<hbm>>
      %dma_start3A_131 = arith.constant 0 : i32
      %dma_start3A_132 = arith.constant 0 : i32
      %dma_start3A_133 = tpu.memref_slice %arg4[%arg0, %arg1, %dma_start3A_131, %dma_start3A_132] : memref<2x16x106x96xi32, #tpu.memory_space<hbm>> -> memref<1x1x106x96xi32, #tpu.memory_space<hbm>>
      %dma_start3A_134 = tpu.memref_squeeze %dma_start3A_133 : memref<1x1x106x96xi32, #tpu.memory_space<hbm>> -> memref<106x96xi32, #tpu.memory_space<hbm>>
      tpu.enqueue_dma source(%dma_start3A_134 : memref<106x96xi32, #tpu.memory_space<hbm>>) target(%arg8 : memref<106x96xi32, #tpu.memory_space<vmem>>) target_semaphore(%run_scoped3A_126 : memref<!tpu.dma_semaphore, #tpu.memory_space<semaphore_mem>>)
      %dma_wait3A_135 = arith.constant 0 : i32
      %dma_wait3A_136 = arith.constant 0 : i32
      %dma_wait3A_137 = tpu.memref_slice %arg4[%arg0, %arg1, %dma_wait3A_135, %dma_wait3A_136] : memref<2x16x106x96xi32, #tpu.memory_space<hbm>> -> memref<1x1x106x96xi32, #tpu.memory_space<hbm>>
      %dma_wait3A_138 = tpu.memref_squeeze %dma_wait3A_137 : memref<1x1x106x96xi32, #tpu.memory_space<hbm>> -> memref<106x96xi32, #tpu.memory_space<hbm>>
      %dma_wait3A_139 = arith.constant 0 : i32
      %dma_wait3A_140 = arith.constant 0 : i32
      %dma_wait3A_141 = tpu.memref_slice %arg4[%arg0, %arg1, %dma_wait3A_139, %dma_wait3A_140] : memref<2x16x106x96xi32, #tpu.memory_space<hbm>> -> memref<1x1x106x96xi32, #tpu.memory_space<hbm>>
      %dma_wait3A_142 = tpu.memref_squeeze %dma_wait3A_141 : memref<1x1x106x96xi32, #tpu.memory_space<hbm>> -> memref<106x96xi32, #tpu.memory_space<hbm>>
      tpu.wait_dma2 semaphore(%run_scoped3A_126 : memref<!tpu.dma_semaphore, #tpu.memory_space<semaphore_mem>>) src(%dma_wait3A_142 : memref<106x96xi32, #tpu.memory_space<hbm>>) dst(%arg8 : memref<106x96xi32, #tpu.memory_space<vmem>>)
      tpu.yield
    }) : () -> ()
    %mul3A = arith.constant 632 : i32
    %mul3A_0 = arith.muli %arg1, %mul3A : i32
    %mul3A_1 = arith.constant 632 : i32
    %mul3A_2 = arith.muli %arg1, %mul3A_1 : i32
    "tpu.region"() ({
      %run_scoped3A_126 = tpu.sem_alloc : memref<!tpu.dma_semaphore, #tpu.memory_space<semaphore_mem>>
      %dma_start3A_127 = arith.constant 0 : i32
      %dma_start3A_128 = tpu.memref_slice %arg13[%mul3A_2, %dma_start3A_127] : memref<10112x64xf32, #tpu.memory_space<vmem_shared>> -> memref<632x64xf32, #tpu.memory_space<vmem_shared>>
      %dma_start3A_129 = arith.constant 0 : i32
      %dma_start3A_130 = tpu.memref_slice %arg5[%mul3A_0, %dma_start3A_129] : memref<10112x64xf32, #tpu.memory_space<hbm>> -> memref<632x64xf32, #tpu.memory_space<hbm>>
      tpu.enqueue_dma source(%dma_start3A_130 : memref<632x64xf32, #tpu.memory_space<hbm>>) target(%dma_start3A_128 : memref<632x64xf32, #tpu.memory_space<vmem_shared>>) target_semaphore(%run_scoped3A_126 : memref<!tpu.dma_semaphore, #tpu.memory_space<semaphore_mem>>)
      %dma_wait3A_131 = arith.constant 0 : i32
      %dma_wait3A_132 = tpu.memref_slice %arg13[%mul3A_2, %dma_wait3A_131] : memref<10112x64xf32, #tpu.memory_space<vmem_shared>> -> memref<632x64xf32, #tpu.memory_space<vmem_shared>>
      %dma_wait3A_133 = arith.constant 0 : i32
      %dma_wait3A_134 = tpu.memref_slice %arg5[%mul3A_0, %dma_wait3A_133] : memref<10112x64xf32, #tpu.memory_space<hbm>> -> memref<632x64xf32, #tpu.memory_space<hbm>>
      tpu.wait_dma2 semaphore(%run_scoped3A_126 : memref<!tpu.dma_semaphore, #tpu.memory_space<semaphore_mem>>) src(%dma_wait3A_134 : memref<632x64xf32, #tpu.memory_space<hbm>>) dst(%dma_wait3A_132 : memref<632x64xf32, #tpu.memory_space<vmem_shared>>)
      tpu.yield
    }) : () -> ()
    %barrier3A = arith.constant 0 : index
    tpu.barrier barrier_id(%barrier3A)
    %dma_start3A = arith.constant 0 : i32
    %dma_start3A_3 = arith.constant 0 : i32
    %dma_start3A_4 = arith.constant 0 : i32
    %dma_start3A_5 = tpu.memref_slice %arg7[%dma_start3A_3, %dma_start3A_4] : memref<108x96xi32, #tpu.memory_space<vmem>> -> memref<1x96xi32, #tpu.memory_space<vmem>>
    %dma_start3A_6 = tpu.memref_squeeze %dma_start3A_5 : memref<1x96xi32, #tpu.memory_space<vmem>> -> memref<96xi32, #tpu.memory_space<vmem>>
    %dma_start3A_7 = arith.constant 0 : i32
    %dma_start3A_8 = arith.constant 0 : i32
    %dma_start3A_9 = tpu.memref_slice %arg2[%dma_start3A, %dma_start3A_7, %dma_start3A_8] : memref<2x10000x32xi32, #tpu.memory_space<hbm>> -> memref<1x10000x32xi32, #tpu.memory_space<hbm>>
    %dma_start3A_10 = tpu.memref_squeeze %dma_start3A_9 : memref<1x10000x32xi32, #tpu.memory_space<hbm>> -> memref<10000x32xi32, #tpu.memory_space<hbm>>
    %dma_start3A_11 = arith.constant 0 : i32
    %dma_start3A_12 = arith.constant 0 : i32
    %dma_start3A_13 = tpu.memref_slice %dma_start3A_10[%dma_start3A_11, %dma_start3A_12] : memref<10000x32xi32, #tpu.memory_space<hbm>> -> memref<10000x32xi32, #tpu.memory_space<hbm>>
    tpu.enqueue_indirect_dma source(%dma_start3A_13 : memref<10000x32xi32, #tpu.memory_space<hbm>>) target(%arg9 : memref<96x32xi32, #tpu.memory_space<vmem>>) offsets(%dma_start3A_6 : memref<96xi32, #tpu.memory_space<vmem>>) semaphore(%arg14 : memref<!tpu.dma_semaphore, #tpu.memory_space<semaphore_mem>>)
    %dma_start3A_14 = arith.constant 0 : i32
    %dma_start3A_15 = arith.constant 1 : i32
    %dma_start3A_16 = arith.constant 0 : i32
    %dma_start3A_17 = tpu.memref_slice %arg7[%dma_start3A_15, %dma_start3A_16] : memref<108x96xi32, #tpu.memory_space<vmem>> -> memref<1x96xi32, #tpu.memory_space<vmem>>
    %dma_start3A_18 = tpu.memref_squeeze %dma_start3A_17 : memref<1x96xi32, #tpu.memory_space<vmem>> -> memref<96xi32, #tpu.memory_space<vmem>>
    %dma_start3A_19 = arith.constant 0 : i32
    %dma_start3A_20 = arith.constant 0 : i32
    %dma_start3A_21 = tpu.memref_slice %arg2[%dma_start3A_14, %dma_start3A_19, %dma_start3A_20] : memref<2x10000x32xi32, #tpu.memory_space<hbm>> -> memref<1x10000x32xi32, #tpu.memory_space<hbm>>
    %dma_start3A_22 = tpu.memref_squeeze %dma_start3A_21 : memref<1x10000x32xi32, #tpu.memory_space<hbm>> -> memref<10000x32xi32, #tpu.memory_space<hbm>>
    %dma_start3A_23 = arith.constant 0 : i32
    %dma_start3A_24 = arith.constant 0 : i32
    %dma_start3A_25 = tpu.memref_slice %dma_start3A_22[%dma_start3A_23, %dma_start3A_24] : memref<10000x32xi32, #tpu.memory_space<hbm>> -> memref<10000x32xi32, #tpu.memory_space<hbm>>
    tpu.enqueue_indirect_dma source(%dma_start3A_25 : memref<10000x32xi32, #tpu.memory_space<hbm>>) target(%arg10 : memref<96x32xi32, #tpu.memory_space<vmem>>) offsets(%dma_start3A_18 : memref<96xi32, #tpu.memory_space<vmem>>) semaphore(%arg15 : memref<!tpu.dma_semaphore, #tpu.memory_space<semaphore_mem>>)
    %scan3A = arith.constant 0 : i32
    %scan3A_26 = arith.constant 0 : i32
    %scan3A_27 = arith.constant 0 : i32
    %scan3A_28 = arith.constant 53 : i32
    %scan3A_29 = arith.addi %scan3A_27, %scan3A_28 : i32
    %scan3A_30 = arith.constant 1 : i32
    scf.for %scan3A_126 = %scan3A_27 to %scan3A_29 step %scan3A_30  : i32 {
      %mul3A_127 = arith.constant 2 : i32
      %mul3A_128 = arith.muli %mul3A_127, %scan3A_126 : i32
      %add3A = arith.constant 0 : i32
      %add3A_129 = arith.addi %mul3A_128, %add3A : i32
      %dma_wait3A_130 = arith.constant 0 : i32
      %dma_wait3A_131 = tpu.memref_slice %arg7[%add3A_129, %dma_wait3A_130] : memref<108x96xi32, #tpu.memory_space<vmem>> -> memref<1x96xi32, #tpu.memory_space<vmem>>
      %dma_wait3A_132 = tpu.memref_squeeze %dma_wait3A_131 : memref<1x96xi32, #tpu.memory_space<vmem>> -> memref<96xi32, #tpu.memory_space<vmem>>
      %dma_wait3A_133 = arith.constant 0 : i32
      %dma_wait3A_134 = arith.constant 0 : i32
      %dma_wait3A_135 = tpu.memref_slice %arg2[%scan3A_26, %dma_wait3A_133, %dma_wait3A_134] : memref<2x10000x32xi32, #tpu.memory_space<hbm>> -> memref<1x10000x32xi32, #tpu.memory_space<hbm>>
      %dma_wait3A_136 = tpu.memref_squeeze %dma_wait3A_135 : memref<1x10000x32xi32, #tpu.memory_space<hbm>> -> memref<10000x32xi32, #tpu.memory_space<hbm>>
      %dma_wait3A_137 = arith.constant 0 : i32
      %dma_wait3A_138 = arith.constant 0 : i32
      %dma_wait3A_139 = tpu.memref_slice %dma_wait3A_136[%dma_wait3A_137, %dma_wait3A_138] : memref<10000x32xi32, #tpu.memory_space<hbm>> -> memref<10000x32xi32, #tpu.memory_space<hbm>>
      tpu.wait_indirect_dma semaphore(%arg14 : memref<!tpu.dma_semaphore, #tpu.memory_space<semaphore_mem>>) src(%dma_wait3A_139 : memref<10000x32xi32, #tpu.memory_space<hbm>>) dst(%arg9 : memref<96x32xi32, #tpu.memory_space<vmem>>)
      %scan3A_140 = arith.constant 0 : i32
      %scan3A_141 = arith.constant 0 : i32
      %scan3A_142 = arith.constant 24 : i32
      %scan3A_143 = arith.addi %scan3A_141, %scan3A_142 : i32
      %scan3A_144 = arith.constant 1 : i32
      scf.for %scan3A_196 = %scan3A_141 to %scan3A_143 step %scan3A_144  : i32 {
        %mul3A_197 = arith.constant 4 : i32
        %mul3A_198 = arith.muli %mul3A_197, %scan3A_196 : i32
        %add3A_199 = arith.constant 0 : i32
        %add3A_200 = arith.addi %mul3A_198, %add3A_199 : i32
        %get3A = arith.index_cast %add3A_200 : i32 to index
        %get3A_201 = arith.constant 0 : index
        %get3A_202 = tpu.vector_load %arg9[%get3A, %get3A_201] {strides = array<i32>} : memref<96x32xi32, #tpu.memory_space<vmem>>, vector<16xi32>,
        %shift_left3A = arith.constant 16 : i32
        %shift_left3A_203 = vector.broadcast %shift_left3A : i32 to vector<16xi32>
        %shift_left3A_204 = arith.shli %get3A_202, %shift_left3A_203 : vector<16xi32>
        %bitcast3A = vector.bitcast %shift_left3A_204 : vector<16xi32> to vector<16xf32>
        %swap3A = arith.index_cast %add3A_200 : i32 to index
        %swap3A_205 = arith.constant 0 : index
        %swap3A_206 = tpu.vector_load %arg11[%swap3A, %swap3A_205] {strides = array<i32>} : memref<96x64xf32, #tpu.memory_space<vmem>>, vector<16xf32>,
        tpu.vector_store %arg11[%swap3A, %swap3A_205], %bitcast3A {strides = array<i32>} : memref<96x64xf32, #tpu.memory_space<vmem>>, vector<16xf32>,
        %and3A = arith.constant -65536 : i32
        %and3A_207 = vector.broadcast %and3A : i32 to vector<16xi32>
        %and3A_208 = arith.andi %get3A_202, %and3A_207 : vector<16xi32>
        %bitcast3A_209 = vector.bitcast %and3A_208 : vector<16xi32> to vector<16xf32>
        %swap3A_210 = arith.index_cast %add3A_200 : i32 to index
        %swap3A_211 = arith.constant 16 : index
        %swap3A_212 = tpu.vector_load %arg11[%swap3A_210, %swap3A_211] {strides = array<i32>} : memref<96x64xf32, #tpu.memory_space<vmem>>, vector<16xf32>,
        tpu.vector_store %arg11[%swap3A_210, %swap3A_211], %bitcast3A_209 {strides = array<i32>} : memref<96x64xf32, #tpu.memory_space<vmem>>, vector<16xf32>,
        %get3A_213 = arith.index_cast %add3A_200 : i32 to index
        %get3A_214 = arith.constant 16 : index
        %get3A_215 = tpu.vector_load %arg9[%get3A_213, %get3A_214] {strides = array<i32>} : memref<96x32xi32, #tpu.memory_space<vmem>>, vector<16xi32>,
        %shift_left3A_216 = arith.constant 16 : i32
        %shift_left3A_217 = vector.broadcast %shift_left3A_216 : i32 to vector<16xi32>
        %shift_left3A_218 = arith.shli %get3A_215, %shift_left3A_217 : vector<16xi32>
        %bitcast3A_219 = vector.bitcast %shift_left3A_218 : vector<16xi32> to vector<16xf32>
        %swap3A_220 = arith.index_cast %add3A_200 : i32 to index
        %swap3A_221 = arith.constant 32 : index
        %swap3A_222 = tpu.vector_load %arg11[%swap3A_220, %swap3A_221] {strides = array<i32>} : memref<96x64xf32, #tpu.memory_space<vmem>>, vector<16xf32>,
        tpu.vector_store %arg11[%swap3A_220, %swap3A_221], %bitcast3A_219 {strides = array<i32>} : memref<96x64xf32, #tpu.memory_space<vmem>>, vector<16xf32>,
        %and3A_223 = arith.constant -65536 : i32
        %and3A_224 = vector.broadcast %and3A_223 : i32 to vector<16xi32>
        %and3A_225 = arith.andi %get3A_215, %and3A_224 : vector<16xi32>
        %bitcast3A_226 = vector.bitcast %and3A_225 : vector<16xi32> to vector<16xf32>
        %swap3A_227 = arith.index_cast %add3A_200 : i32 to index
        %swap3A_228 = arith.constant 48 : index
        %swap3A_229 = tpu.vector_load %arg11[%swap3A_227, %swap3A_228] {strides = array<i32>} : memref<96x64xf32, #tpu.memory_space<vmem>>, vector<16xf32>,
        tpu.vector_store %arg11[%swap3A_227, %swap3A_228], %bitcast3A_226 {strides = array<i32>} : memref<96x64xf32, #tpu.memory_space<vmem>>, vector<16xf32>,
        %mul3A_230 = arith.constant 4 : i32
        %mul3A_231 = arith.muli %mul3A_230, %scan3A_196 : i32
        %add3A_232 = arith.constant 1 : i32
        %add3A_233 = arith.addi %mul3A_231, %add3A_232 : i32
        %get3A_234 = arith.index_cast %add3A_233 : i32 to index
        %get3A_235 = arith.constant 0 : index
        %get3A_236 = tpu.vector_load %arg9[%get3A_234, %get3A_235] {strides = array<i32>} : memref<96x32xi32, #tpu.memory_space<vmem>>, vector<16xi32>,
        %shift_left3A_237 = arith.constant 16 : i32
        %shift_left3A_238 = vector.broadcast %shift_left3A_237 : i32 to vector<16xi32>
        %shift_left3A_239 = arith.shli %get3A_236, %shift_left3A_238 : vector<16xi32>
        %bitcast3A_240 = vector.bitcast %shift_left3A_239 : vector<16xi32> to vector<16xf32>
        %swap3A_241 = arith.index_cast %add3A_233 : i32 to index
        %swap3A_242 = arith.constant 0 : index
        %swap3A_243 = tpu.vector_load %arg11[%swap3A_241, %swap3A_242] {strides = array<i32>} : memref<96x64xf32, #tpu.memory_space<vmem>>, vector<16xf32>,
        tpu.vector_store %arg11[%swap3A_241, %swap3A_242], %bitcast3A_240 {strides = array<i32>} : memref<96x64xf32, #tpu.memory_space<vmem>>, vector<16xf32>,
        %and3A_244 = arith.constant -65536 : i32
        %and3A_245 = vector.broadcast %and3A_244 : i32 to vector<16xi32>
        %and3A_246 = arith.andi %get3A_236, %and3A_245 : vector<16xi32>
        %bitcast3A_247 = vector.bitcast %and3A_246 : vector<16xi32> to vector<16xf32>
        %swap3A_248 = arith.index_cast %add3A_233 : i32 to index
        %swap3A_249 = arith.constant 16 : index
        %swap3A_250 = tpu.vector_load %arg11[%swap3A_248, %swap3A_249] {strides = array<i32>} : memref<96x64xf32, #tpu.memory_space<vmem>>, vector<16xf32>,
        tpu.vector_store %arg11[%swap3A_248, %swap3A_249], %bitcast3A_247 {strides = array<i32>} : memref<96x64xf32, #tpu.memory_space<vmem>>, vector<16xf32>,
        %get3A_251 = arith.index_cast %add3A_233 : i32 to index
        %get3A_252 = arith.constant 16 : index
        %get3A_253 = tpu.vector_load %arg9[%get3A_251, %get3A_252] {strides = array<i32>} : memref<96x32xi32, #tpu.memory_space<vmem>>, vector<16xi32>,
        %shift_left3A_254 = arith.constant 16 : i32
        %shift_left3A_255 = vector.broadcast %shift_left3A_254 : i32 to vector<16xi32>
        %shift_left3A_256 = arith.shli %get3A_253, %shift_left3A_255 : vector<16xi32>
        %bitcast3A_257 = vector.bitcast %shift_left3A_256 : vector<16xi32> to vector<16xf32>
        %swap3A_258 = arith.index_cast %add3A_233 : i32 to index
        %swap3A_259 = arith.constant 32 : index
        %swap3A_260 = tpu.vector_load %arg11[%swap3A_258, %swap3A_259] {strides = array<i32>} : memref<96x64xf32, #tpu.memory_space<vmem>>, vector<16xf32>,
        tpu.vector_store %arg11[%swap3A_258, %swap3A_259], %bitcast3A_257 {strides = array<i32>} : memref<96x64xf32, #tpu.memory_space<vmem>>, vector<16xf32>,
        %and3A_261 = arith.constant -65536 : i32
        %and3A_262 = vector.broadcast %and3A_261 : i32 to vector<16xi32>
        %and3A_263 = arith.andi %get3A_253, %and3A_262 : vector<16xi32>
        %bitcast3A_264 = vector.bitcast %and3A_263 : vector<16xi32> to vector<16xf32>
        %swap3A_265 = arith.index_cast %add3A_233 : i32 to index
        %swap3A_266 = arith.constant 48 : index
        %swap3A_267 = tpu.vector_load %arg11[%swap3A_265, %swap3A_266] {strides = array<i32>} : memref<96x64xf32, #tpu.memory_space<vmem>>, vector<16xf32>,
        tpu.vector_store %arg11[%swap3A_265, %swap3A_266], %bitcast3A_264 {strides = array<i32>} : memref<96x64xf32, #tpu.memory_space<vmem>>, vector<16xf32>,
        %mul3A_268 = arith.constant 4 : i32
        %mul3A_269 = arith.muli %mul3A_268, %scan3A_196 : i32
        %add3A_270 = arith.constant 2 : i32
        %add3A_271 = arith.addi %mul3A_269, %add3A_270 : i32
        %get3A_272 = arith.index_cast %add3A_271 : i32 to index
        %get3A_273 = arith.constant 0 : index
        %get3A_274 = tpu.vector_load %arg9[%get3A_272, %get3A_273] {strides = array<i32>} : memref<96x32xi32, #tpu.memory_space<vmem>>, vector<16xi32>,
        %shift_left3A_275 = arith.constant 16 : i32
        %shift_left3A_276 = vector.broadcast %shift_left3A_275 : i32 to vector<16xi32>
        %shift_left3A_277 = arith.shli %get3A_274, %shift_left3A_276 : vector<16xi32>
        %bitcast3A_278 = vector.bitcast %shift_left3A_277 : vector<16xi32> to vector<16xf32>
        %swap3A_279 = arith.index_cast %add3A_271 : i32 to index
        %swap3A_280 = arith.constant 0 : index
        %swap3A_281 = tpu.vector_load %arg11[%swap3A_279, %swap3A_280] {strides = array<i32>} : memref<96x64xf32, #tpu.memory_space<vmem>>, vector<16xf32>,
        tpu.vector_store %arg11[%swap3A_279, %swap3A_280], %bitcast3A_278 {strides = array<i32>} : memref<96x64xf32, #tpu.memory_space<vmem>>, vector<16xf32>,
        %and3A_282 = arith.constant -65536 : i32
        %and3A_283 = vector.broadcast %and3A_282 : i32 to vector<16xi32>
        %and3A_284 = arith.andi %get3A_274, %and3A_283 : vector<16xi32>
        %bitcast3A_285 = vector.bitcast %and3A_284 : vector<16xi32> to vector<16xf32>
        %swap3A_286 = arith.index_cast %add3A_271 : i32 to index
        %swap3A_287 = arith.constant 16 : index
        %swap3A_288 = tpu.vector_load %arg11[%swap3A_286, %swap3A_287] {strides = array<i32>} : memref<96x64xf32, #tpu.memory_space<vmem>>, vector<16xf32>,
        tpu.vector_store %arg11[%swap3A_286, %swap3A_287], %bitcast3A_285 {strides = array<i32>} : memref<96x64xf32, #tpu.memory_space<vmem>>, vector<16xf32>,
        %get3A_289 = arith.index_cast %add3A_271 : i32 to index
        %get3A_290 = arith.constant 16 : index
        %get3A_291 = tpu.vector_load %arg9[%get3A_289, %get3A_290] {strides = array<i32>} : memref<96x32xi32, #tpu.memory_space<vmem>>, vector<16xi32>,
        %shift_left3A_292 = arith.constant 16 : i32
        %shift_left3A_293 = vector.broadcast %shift_left3A_292 : i32 to vector<16xi32>
        %shift_left3A_294 = arith.shli %get3A_291, %shift_left3A_293 : vector<16xi32>
        %bitcast3A_295 = vector.bitcast %shift_left3A_294 : vector<16xi32> to vector<16xf32>
        %swap3A_296 = arith.index_cast %add3A_271 : i32 to index
        %swap3A_297 = arith.constant 32 : index
        %swap3A_298 = tpu.vector_load %arg11[%swap3A_296, %swap3A_297] {strides = array<i32>} : memref<96x64xf32, #tpu.memory_space<vmem>>, vector<16xf32>,
        tpu.vector_store %arg11[%swap3A_296, %swap3A_297], %bitcast3A_295 {strides = array<i32>} : memref<96x64xf32, #tpu.memory_space<vmem>>, vector<16xf32>,
        %and3A_299 = arith.constant -65536 : i32
        %and3A_300 = vector.broadcast %and3A_299 : i32 to vector<16xi32>
        %and3A_301 = arith.andi %get3A_291, %and3A_300 : vector<16xi32>
        %bitcast3A_302 = vector.bitcast %and3A_301 : vector<16xi32> to vector<16xf32>
        %swap3A_303 = arith.index_cast %add3A_271 : i32 to index
        %swap3A_304 = arith.constant 48 : index
        %swap3A_305 = tpu.vector_load %arg11[%swap3A_303, %swap3A_304] {strides = array<i32>} : memref<96x64xf32, #tpu.memory_space<vmem>>, vector<16xf32>,
        tpu.vector_store %arg11[%swap3A_303, %swap3A_304], %bitcast3A_302 {strides = array<i32>} : memref<96x64xf32, #tpu.memory_space<vmem>>, vector<16xf32>,
        %mul3A_306 = arith.constant 4 : i32
        %mul3A_307 = arith.muli %mul3A_306, %scan3A_196 : i32
        %add3A_308 = arith.constant 3 : i32
        %add3A_309 = arith.addi %mul3A_307, %add3A_308 : i32
        %get3A_310 = arith.index_cast %add3A_309 : i32 to index
        %get3A_311 = arith.constant 0 : index
        %get3A_312 = tpu.vector_load %arg9[%get3A_310, %get3A_311] {strides = array<i32>} : memref<96x32xi32, #tpu.memory_space<vmem>>, vector<16xi32>,
        %shift_left3A_313 = arith.constant 16 : i32
        %shift_left3A_314 = vector.broadcast %shift_left3A_313 : i32 to vector<16xi32>
        %shift_left3A_315 = arith.shli %get3A_312, %shift_left3A_314 : vector<16xi32>
        %bitcast3A_316 = vector.bitcast %shift_left3A_315 : vector<16xi32> to vector<16xf32>
        %swap3A_317 = arith.index_cast %add3A_309 : i32 to index
        %swap3A_318 = arith.constant 0 : index
        %swap3A_319 = tpu.vector_load %arg11[%swap3A_317, %swap3A_318] {strides = array<i32>} : memref<96x64xf32, #tpu.memory_space<vmem>>, vector<16xf32>,
        tpu.vector_store %arg11[%swap3A_317, %swap3A_318], %bitcast3A_316 {strides = array<i32>} : memref<96x64xf32, #tpu.memory_space<vmem>>, vector<16xf32>,
        %and3A_320 = arith.constant -65536 : i32
        %and3A_321 = vector.broadcast %and3A_320 : i32 to vector<16xi32>
        %and3A_322 = arith.andi %get3A_312, %and3A_321 : vector<16xi32>
        %bitcast3A_323 = vector.bitcast %and3A_322 : vector<16xi32> to vector<16xf32>
        %swap3A_324 = arith.index_cast %add3A_309 : i32 to index
        %swap3A_325 = arith.constant 16 : index
        %swap3A_326 = tpu.vector_load %arg11[%swap3A_324, %swap3A_325] {strides = array<i32>} : memref<96x64xf32, #tpu.memory_space<vmem>>, vector<16xf32>,
        tpu.vector_store %arg11[%swap3A_324, %swap3A_325], %bitcast3A_323 {strides = array<i32>} : memref<96x64xf32, #tpu.memory_space<vmem>>, vector<16xf32>,
        %get3A_327 = arith.index_cast %add3A_309 : i32 to index
        %get3A_328 = arith.constant 16 : index
        %get3A_329 = tpu.vector_load %arg9[%get3A_327, %get3A_328] {strides = array<i32>} : memref<96x32xi32, #tpu.memory_space<vmem>>, vector<16xi32>,
        %shift_left3A_330 = arith.constant 16 : i32
        %shift_left3A_331 = vector.broadcast %shift_left3A_330 : i32 to vector<16xi32>
        %shift_left3A_332 = arith.shli %get3A_329, %shift_left3A_331 : vector<16xi32>
        %bitcast3A_333 = vector.bitcast %shift_left3A_332 : vector<16xi32> to vector<16xf32>
        %swap3A_334 = arith.index_cast %add3A_309 : i32 to index
        %swap3A_335 = arith.constant 32 : index
        %swap3A_336 = tpu.vector_load %arg11[%swap3A_334, %swap3A_335] {strides = array<i32>} : memref<96x64xf32, #tpu.memory_space<vmem>>, vector<16xf32>,
        tpu.vector_store %arg11[%swap3A_334, %swap3A_335], %bitcast3A_333 {strides = array<i32>} : memref<96x64xf32, #tpu.memory_space<vmem>>, vector<16xf32>,
        %and3A_337 = arith.constant -65536 : i32
        %and3A_338 = vector.broadcast %and3A_337 : i32 to vector<16xi32>
        %and3A_339 = arith.andi %get3A_329, %and3A_338 : vector<16xi32>
        %bitcast3A_340 = vector.bitcast %and3A_339 : vector<16xi32> to vector<16xf32>
        %swap3A_341 = arith.index_cast %add3A_309 : i32 to index
        %swap3A_342 = arith.constant 48 : index
        %swap3A_343 = tpu.vector_load %arg11[%swap3A_341, %swap3A_342] {strides = array<i32>} : memref<96x64xf32, #tpu.memory_space<vmem>>, vector<16xf32>,
        tpu.vector_store %arg11[%swap3A_341, %swap3A_342], %bitcast3A_340 {strides = array<i32>} : memref<96x64xf32, #tpu.memory_space<vmem>>, vector<16xf32>,
      }
      %scan3A_145 = arith.constant 24 : i32
      %add3A_146 = arith.constant 2 : i32
      %add3A_147 = arith.addi %mul3A_128, %add3A_146 : i32
      %add3A_148 = arith.constant 0 : i32
      %add3A_149 = arith.addi %add3A_147, %add3A_148 : i32
      %dma_start3A_150 = arith.constant 0 : i32
      %dma_start3A_151 = tpu.memref_slice %arg7[%add3A_149, %dma_start3A_150] : memref<108x96xi32, #tpu.memory_space<vmem>> -> memref<1x96xi32, #tpu.memory_space<vmem>>
      %dma_start3A_152 = tpu.memref_squeeze %dma_start3A_151 : memref<1x96xi32, #tpu.memory_space<vmem>> -> memref<96xi32, #tpu.memory_space<vmem>>
      %dma_start3A_153 = arith.constant 0 : i32
      %dma_start3A_154 = arith.constant 0 : i32
      %dma_start3A_155 = tpu.memref_slice %arg2[%scan3A_26, %dma_start3A_153, %dma_start3A_154] : memref<2x10000x32xi32, #tpu.memory_space<hbm>> -> memref<1x10000x32xi32, #tpu.memory_space<hbm>>
      %dma_start3A_156 = tpu.memref_squeeze %dma_start3A_155 : memref<1x10000x32xi32, #tpu.memory_space<hbm>> -> memref<10000x32xi32, #tpu.memory_space<hbm>>
      %dma_start3A_157 = arith.constant 0 : i32
      %dma_start3A_158 = arith.constant 0 : i32
      %dma_start3A_159 = tpu.memref_slice %dma_start3A_156[%dma_start3A_157, %dma_start3A_158] : memref<10000x32xi32, #tpu.memory_space<hbm>> -> memref<10000x32xi32, #tpu.memory_space<hbm>>
      tpu.enqueue_indirect_dma source(%dma_start3A_159 : memref<10000x32xi32, #tpu.memory_space<hbm>>) target(%arg9 : memref<96x32xi32, #tpu.memory_space<vmem>>) offsets(%dma_start3A_152 : memref<96xi32, #tpu.memory_space<vmem>>) semaphore(%arg14 : memref<!tpu.dma_semaphore, #tpu.memory_space<semaphore_mem>>)
      %add3A_160 = arith.constant 0 : i32
      %add3A_161 = arith.addi %mul3A_128, %add3A_160 : i32
      "tpu.region"() ({
        %run_scoped3A_196 = tpu.sem_alloc : memref<!tpu.dma_semaphore, #tpu.memory_space<semaphore_mem>>
        %dma_start3A_197 = arith.constant 0 : i32
        %dma_start3A_198 = tpu.memref_slice %arg8[%add3A_161, %dma_start3A_197] : memref<106x96xi32, #tpu.memory_space<vmem>> -> memref<1x96xi32, #tpu.memory_space<vmem>>
        %dma_start3A_199 = tpu.memref_squeeze %dma_start3A_198 : memref<1x96xi32, #tpu.memory_space<vmem>> -> memref<96xi32, #tpu.memory_space<vmem>>
        %dma_start3A_200 = arith.constant 0 : i32
        %dma_start3A_201 = arith.constant 0 : i32
        %dma_start3A_202 = tpu.memref_slice %arg13[%dma_start3A_200, %dma_start3A_201] : memref<10112x64xf32, #tpu.memory_space<vmem_shared>> -> memref<10112x64xf32, #tpu.memory_space<vmem_shared>>
        tpu.enqueue_indirect_dma source(%arg11 : memref<96x64xf32, #tpu.memory_space<vmem>>) target(%dma_start3A_202 : memref<10112x64xf32, #tpu.memory_space<vmem_shared>>) offsets(%dma_start3A_199 : memref<96xi32, #tpu.memory_space<vmem>>) semaphore(%run_scoped3A_196 : memref<!tpu.dma_semaphore, #tpu.memory_space<semaphore_mem>>) {add = true}
        %dma_wait3A_203 = arith.constant 0 : i32
        %dma_wait3A_204 = tpu.memref_slice %arg8[%add3A_161, %dma_wait3A_203] : memref<106x96xi32, #tpu.memory_space<vmem>> -> memref<1x96xi32, #tpu.memory_space<vmem>>
        %dma_wait3A_205 = tpu.memref_squeeze %dma_wait3A_204 : memref<1x96xi32, #tpu.memory_space<vmem>> -> memref<96xi32, #tpu.memory_space<vmem>>
        %dma_wait3A_206 = arith.constant 0 : i32
        %dma_wait3A_207 = arith.constant 0 : i32
        %dma_wait3A_208 = tpu.memref_slice %arg13[%dma_wait3A_206, %dma_wait3A_207] : memref<10112x64xf32, #tpu.memory_space<vmem_shared>> -> memref<10112x64xf32, #tpu.memory_space<vmem_shared>>
        tpu.wait_indirect_dma semaphore(%run_scoped3A_196 : memref<!tpu.dma_semaphore, #tpu.memory_space<semaphore_mem>>) src(%arg11 : memref<96x64xf32, #tpu.memory_space<vmem>>) dst(%dma_wait3A_208 : memref<10112x64xf32, #tpu.memory_space<vmem_shared>>)
        tpu.yield
      }) : () -> ()
      %add3A_162 = arith.constant 1 : i32
      %add3A_163 = arith.addi %mul3A_128, %add3A_162 : i32
      %dma_wait3A_164 = arith.constant 0 : i32
      %dma_wait3A_165 = tpu.memref_slice %arg7[%add3A_163, %dma_wait3A_164] : memref<108x96xi32, #tpu.memory_space<vmem>> -> memref<1x96xi32, #tpu.memory_space<vmem>>
      %dma_wait3A_166 = tpu.memref_squeeze %dma_wait3A_165 : memref<1x96xi32, #tpu.memory_space<vmem>> -> memref<96xi32, #tpu.memory_space<vmem>>
      %dma_wait3A_167 = arith.constant 0 : i32
      %dma_wait3A_168 = arith.constant 0 : i32
      %dma_wait3A_169 = tpu.memref_slice %arg2[%scan3A_26, %dma_wait3A_167, %dma_wait3A_168] : memref<2x10000x32xi32, #tpu.memory_space<hbm>> -> memref<1x10000x32xi32, #tpu.memory_space<hbm>>
      %dma_wait3A_170 = tpu.memref_squeeze %dma_wait3A_169 : memref<1x10000x32xi32, #tpu.memory_space<hbm>> -> memref<10000x32xi32, #tpu.memory_space<hbm>>
      %dma_wait3A_171 = arith.constant 0 : i32
      %dma_wait3A_172 = arith.constant 0 : i32
      %dma_wait3A_173 = tpu.memref_slice %dma_wait3A_170[%dma_wait3A_171, %dma_wait3A_172] : memref<10000x32xi32, #tpu.memory_space<hbm>> -> memref<10000x32xi32, #tpu.memory_space<hbm>>
      tpu.wait_indirect_dma semaphore(%arg15 : memref<!tpu.dma_semaphore, #tpu.memory_space<semaphore_mem>>) src(%dma_wait3A_173 : memref<10000x32xi32, #tpu.memory_space<hbm>>) dst(%arg10 : memref<96x32xi32, #tpu.memory_space<vmem>>)
      %scan3A_174 = arith.constant 0 : i32
      %scan3A_175 = arith.constant 0 : i32
      %scan3A_176 = arith.constant 24 : i32
      %scan3A_177 = arith.addi %scan3A_175, %scan3A_176 : i32
      %scan3A_178 = arith.constant 1 : i32
      scf.for %scan3A_196 = %scan3A_175 to %scan3A_177 step %scan3A_178  : i32 {
        %mul3A_197 = arith.constant 4 : i32
        %mul3A_198 = arith.muli %mul3A_197, %scan3A_196 : i32
        %add3A_199 = arith.constant 0 : i32
        %add3A_200 = arith.addi %mul3A_198, %add3A_199 : i32
        %get3A = arith.index_cast %add3A_200 : i32 to index
        %get3A_201 = arith.constant 0 : index
        %get3A_202 = tpu.vector_load %arg10[%get3A, %get3A_201] {strides = array<i32>} : memref<96x32xi32, #tpu.memory_space<vmem>>, vector<16xi32>,
        %shift_left3A = arith.constant 16 : i32
        %shift_left3A_203 = vector.broadcast %shift_left3A : i32 to vector<16xi32>
        %shift_left3A_204 = arith.shli %get3A_202, %shift_left3A_203 : vector<16xi32>
        %bitcast3A = vector.bitcast %shift_left3A_204 : vector<16xi32> to vector<16xf32>
        %swap3A = arith.index_cast %add3A_200 : i32 to index
        %swap3A_205 = arith.constant 0 : index
        %swap3A_206 = tpu.vector_load %arg12[%swap3A, %swap3A_205] {strides = array<i32>} : memref<96x64xf32, #tpu.memory_space<vmem>>, vector<16xf32>,
        tpu.vector_store %arg12[%swap3A, %swap3A_205], %bitcast3A {strides = array<i32>} : memref<96x64xf32, #tpu.memory_space<vmem>>, vector<16xf32>,
        %and3A = arith.constant -65536 : i32
        %and3A_207 = vector.broadcast %and3A : i32 to vector<16xi32>
        %and3A_208 = arith.andi %get3A_202, %and3A_207 : vector<16xi32>
        %bitcast3A_209 = vector.bitcast %and3A_208 : vector<16xi32> to vector<16xf32>
        %swap3A_210 = arith.index_cast %add3A_200 : i32 to index
        %swap3A_211 = arith.constant 16 : index
        %swap3A_212 = tpu.vector_load %arg12[%swap3A_210, %swap3A_211] {strides = array<i32>} : memref<96x64xf32, #tpu.memory_space<vmem>>, vector<16xf32>,
        tpu.vector_store %arg12[%swap3A_210, %swap3A_211], %bitcast3A_209 {strides = array<i32>} : memref<96x64xf32, #tpu.memory_space<vmem>>, vector<16xf32>,
        %get3A_213 = arith.index_cast %add3A_200 : i32 to index
        %get3A_214 = arith.constant 16 : index
        %get3A_215 = tpu.vector_load %arg10[%get3A_213, %get3A_214] {strides = array<i32>} : memref<96x32xi32, #tpu.memory_space<vmem>>, vector<16xi32>,
        %shift_left3A_216 = arith.constant 16 : i32
        %shift_left3A_217 = vector.broadcast %shift_left3A_216 : i32 to vector<16xi32>
        %shift_left3A_218 = arith.shli %get3A_215, %shift_left3A_217 : vector<16xi32>
        %bitcast3A_219 = vector.bitcast %shift_left3A_218 : vector<16xi32> to vector<16xf32>
        %swap3A_220 = arith.index_cast %add3A_200 : i32 to index
        %swap3A_221 = arith.constant 32 : index
        %swap3A_222 = tpu.vector_load %arg12[%swap3A_220, %swap3A_221] {strides = array<i32>} : memref<96x64xf32, #tpu.memory_space<vmem>>, vector<16xf32>,
        tpu.vector_store %arg12[%swap3A_220, %swap3A_221], %bitcast3A_219 {strides = array<i32>} : memref<96x64xf32, #tpu.memory_space<vmem>>, vector<16xf32>,
        %and3A_223 = arith.constant -65536 : i32
        %and3A_224 = vector.broadcast %and3A_223 : i32 to vector<16xi32>
        %and3A_225 = arith.andi %get3A_215, %and3A_224 : vector<16xi32>
        %bitcast3A_226 = vector.bitcast %and3A_225 : vector<16xi32> to vector<16xf32>
        %swap3A_227 = arith.index_cast %add3A_200 : i32 to index
        %swap3A_228 = arith.constant 48 : index
        %swap3A_229 = tpu.vector_load %arg12[%swap3A_227, %swap3A_228] {strides = array<i32>} : memref<96x64xf32, #tpu.memory_space<vmem>>, vector<16xf32>,
        tpu.vector_store %arg12[%swap3A_227, %swap3A_228], %bitcast3A_226 {strides = array<i32>} : memref<96x64xf32, #tpu.memory_space<vmem>>, vector<16xf32>,
        %mul3A_230 = arith.constant 4 : i32
        %mul3A_231 = arith.muli %mul3A_230, %scan3A_196 : i32
        %add3A_232 = arith.constant 1 : i32
        %add3A_233 = arith.addi %mul3A_231, %add3A_232 : i32
        %get3A_234 = arith.index_cast %add3A_233 : i32 to index
        %get3A_235 = arith.constant 0 : index
        %get3A_236 = tpu.vector_load %arg10[%get3A_234, %get3A_235] {strides = array<i32>} : memref<96x32xi32, #tpu.memory_space<vmem>>, vector<16xi32>,
        %shift_left3A_237 = arith.constant 16 : i32
        %shift_left3A_238 = vector.broadcast %shift_left3A_237 : i32 to vector<16xi32>
        %shift_left3A_239 = arith.shli %get3A_236, %shift_left3A_238 : vector<16xi32>
        %bitcast3A_240 = vector.bitcast %shift_left3A_239 : vector<16xi32> to vector<16xf32>
        %swap3A_241 = arith.index_cast %add3A_233 : i32 to index
        %swap3A_242 = arith.constant 0 : index
        %swap3A_243 = tpu.vector_load %arg12[%swap3A_241, %swap3A_242] {strides = array<i32>} : memref<96x64xf32, #tpu.memory_space<vmem>>, vector<16xf32>,
        tpu.vector_store %arg12[%swap3A_241, %swap3A_242], %bitcast3A_240 {strides = array<i32>} : memref<96x64xf32, #tpu.memory_space<vmem>>, vector<16xf32>,
        %and3A_244 = arith.constant -65536 : i32
        %and3A_245 = vector.broadcast %and3A_244 : i32 to vector<16xi32>
        %and3A_246 = arith.andi %get3A_236, %and3A_245 : vector<16xi32>
        %bitcast3A_247 = vector.bitcast %and3A_246 : vector<16xi32> to vector<16xf32>
        %swap3A_248 = arith.index_cast %add3A_233 : i32 to index
        %swap3A_249 = arith.constant 16 : index
        %swap3A_250 = tpu.vector_load %arg12[%swap3A_248, %swap3A_249] {strides = array<i32>} : memref<96x64xf32, #tpu.memory_space<vmem>>, vector<16xf32>,
        tpu.vector_store %arg12[%swap3A_248, %swap3A_249], %bitcast3A_247 {strides = array<i32>} : memref<96x64xf32, #tpu.memory_space<vmem>>, vector<16xf32>,
        %get3A_251 = arith.index_cast %add3A_233 : i32 to index
        %get3A_252 = arith.constant 16 : index
        %get3A_253 = tpu.vector_load %arg10[%get3A_251, %get3A_252] {strides = array<i32>} : memref<96x32xi32, #tpu.memory_space<vmem>>, vector<16xi32>,
        %shift_left3A_254 = arith.constant 16 : i32
        %shift_left3A_255 = vector.broadcast %shift_left3A_254 : i32 to vector<16xi32>
        %shift_left3A_256 = arith.shli %get3A_253, %shift_left3A_255 : vector<16xi32>
        %bitcast3A_257 = vector.bitcast %shift_left3A_256 : vector<16xi32> to vector<16xf32>
        %swap3A_258 = arith.index_cast %add3A_233 : i32 to index
        %swap3A_259 = arith.constant 32 : index
        %swap3A_260 = tpu.vector_load %arg12[%swap3A_258, %swap3A_259] {strides = array<i32>} : memref<96x64xf32, #tpu.memory_space<vmem>>, vector<16xf32>,
        tpu.vector_store %arg12[%swap3A_258, %swap3A_259], %bitcast3A_257 {strides = array<i32>} : memref<96x64xf32, #tpu.memory_space<vmem>>, vector<16xf32>,
        %and3A_261 = arith.constant -65536 : i32
        %and3A_262 = vector.broadcast %and3A_261 : i32 to vector<16xi32>
        %and3A_263 = arith.andi %get3A_253, %and3A_262 : vector<16xi32>
        %bitcast3A_264 = vector.bitcast %and3A_263 : vector<16xi32> to vector<16xf32>
        %swap3A_265 = arith.index_cast %add3A_233 : i32 to index
        %swap3A_266 = arith.constant 48 : index
        %swap3A_267 = tpu.vector_load %arg12[%swap3A_265, %swap3A_266] {strides = array<i32>} : memref<96x64xf32, #tpu.memory_space<vmem>>, vector<16xf32>,
        tpu.vector_store %arg12[%swap3A_265, %swap3A_266], %bitcast3A_264 {strides = array<i32>} : memref<96x64xf32, #tpu.memory_space<vmem>>, vector<16xf32>,
        %mul3A_268 = arith.constant 4 : i32
        %mul3A_269 = arith.muli %mul3A_268, %scan3A_196 : i32
        %add3A_270 = arith.constant 2 : i32
        %add3A_271 = arith.addi %mul3A_269, %add3A_270 : i32
        %get3A_272 = arith.index_cast %add3A_271 : i32 to index
        %get3A_273 = arith.constant 0 : index
        %get3A_274 = tpu.vector_load %arg10[%get3A_272, %get3A_273] {strides = array<i32>} : memref<96x32xi32, #tpu.memory_space<vmem>>, vector<16xi32>,
        %shift_left3A_275 = arith.constant 16 : i32
        %shift_left3A_276 = vector.broadcast %shift_left3A_275 : i32 to vector<16xi32>
        %shift_left3A_277 = arith.shli %get3A_274, %shift_left3A_276 : vector<16xi32>
        %bitcast3A_278 = vector.bitcast %shift_left3A_277 : vector<16xi32> to vector<16xf32>
        %swap3A_279 = arith.index_cast %add3A_271 : i32 to index
        %swap3A_280 = arith.constant 0 : index
        %swap3A_281 = tpu.vector_load %arg12[%swap3A_279, %swap3A_280] {strides = array<i32>} : memref<96x64xf32, #tpu.memory_space<vmem>>, vector<16xf32>,
        tpu.vector_store %arg12[%swap3A_279, %swap3A_280], %bitcast3A_278 {strides = array<i32>} : memref<96x64xf32, #tpu.memory_space<vmem>>, vector<16xf32>,
        %and3A_282 = arith.constant -65536 : i32
        %and3A_283 = vector.broadcast %and3A_282 : i32 to vector<16xi32>
        %and3A_284 = arith.andi %get3A_274, %and3A_283 : vector<16xi32>
        %bitcast3A_285 = vector.bitcast %and3A_284 : vector<16xi32> to vector<16xf32>
        %swap3A_286 = arith.index_cast %add3A_271 : i32 to index
        %swap3A_287 = arith.constant 16 : index
        %swap3A_288 = tpu.vector_load %arg12[%swap3A_286, %swap3A_287] {strides = array<i32>} : memref<96x64xf32, #tpu.memory_space<vmem>>, vector<16xf32>,
        tpu.vector_store %arg12[%swap3A_286, %swap3A_287], %bitcast3A_285 {strides = array<i32>} : memref<96x64xf32, #tpu.memory_space<vmem>>, vector<16xf32>,
        %get3A_289 = arith.index_cast %add3A_271 : i32 to index
        %get3A_290 = arith.constant 16 : index
        %get3A_291 = tpu.vector_load %arg10[%get3A_289, %get3A_290] {strides = array<i32>} : memref<96x32xi32, #tpu.memory_space<vmem>>, vector<16xi32>,
        %shift_left3A_292 = arith.constant 16 : i32
        %shift_left3A_293 = vector.broadcast %shift_left3A_292 : i32 to vector<16xi32>
        %shift_left3A_294 = arith.shli %get3A_291, %shift_left3A_293 : vector<16xi32>
        %bitcast3A_295 = vector.bitcast %shift_left3A_294 : vector<16xi32> to vector<16xf32>
        %swap3A_296 = arith.index_cast %add3A_271 : i32 to index
        %swap3A_297 = arith.constant 32 : index
        %swap3A_298 = tpu.vector_load %arg12[%swap3A_296, %swap3A_297] {strides = array<i32>} : memref<96x64xf32, #tpu.memory_space<vmem>>, vector<16xf32>,
        tpu.vector_store %arg12[%swap3A_296, %swap3A_297], %bitcast3A_295 {strides = array<i32>} : memref<96x64xf32, #tpu.memory_space<vmem>>, vector<16xf32>,
        %and3A_299 = arith.constant -65536 : i32
        %and3A_300 = vector.broadcast %and3A_299 : i32 to vector<16xi32>
        %and3A_301 = arith.andi %get3A_291, %and3A_300 : vector<16xi32>
        %bitcast3A_302 = vector.bitcast %and3A_301 : vector<16xi32> to vector<16xf32>
        %swap3A_303 = arith.index_cast %add3A_271 : i32 to index
        %swap3A_304 = arith.constant 48 : index
        %swap3A_305 = tpu.vector_load %arg12[%swap3A_303, %swap3A_304] {strides = array<i32>} : memref<96x64xf32, #tpu.memory_space<vmem>>, vector<16xf32>,
        tpu.vector_store %arg12[%swap3A_303, %swap3A_304], %bitcast3A_302 {strides = array<i32>} : memref<96x64xf32, #tpu.memory_space<vmem>>, vector<16xf32>,
        %mul3A_306 = arith.constant 4 : i32
        %mul3A_307 = arith.muli %mul3A_306, %scan3A_196 : i32
        %add3A_308 = arith.constant 3 : i32
        %add3A_309 = arith.addi %mul3A_307, %add3A_308 : i32
        %get3A_310 = arith.index_cast %add3A_309 : i32 to index
        %get3A_311 = arith.constant 0 : index
        %get3A_312 = tpu.vector_load %arg10[%get3A_310, %get3A_311] {strides = array<i32>} : memref<96x32xi32, #tpu.memory_space<vmem>>, vector<16xi32>,
        %shift_left3A_313 = arith.constant 16 : i32
        %shift_left3A_314 = vector.broadcast %shift_left3A_313 : i32 to vector<16xi32>
        %shift_left3A_315 = arith.shli %get3A_312, %shift_left3A_314 : vector<16xi32>
        %bitcast3A_316 = vector.bitcast %shift_left3A_315 : vector<16xi32> to vector<16xf32>
        %swap3A_317 = arith.index_cast %add3A_309 : i32 to index
        %swap3A_318 = arith.constant 0 : index
        %swap3A_319 = tpu.vector_load %arg12[%swap3A_317, %swap3A_318] {strides = array<i32>} : memref<96x64xf32, #tpu.memory_space<vmem>>, vector<16xf32>,
        tpu.vector_store %arg12[%swap3A_317, %swap3A_318], %bitcast3A_316 {strides = array<i32>} : memref<96x64xf32, #tpu.memory_space<vmem>>, vector<16xf32>,
        %and3A_320 = arith.constant -65536 : i32
        %and3A_321 = vector.broadcast %and3A_320 : i32 to vector<16xi32>
        %and3A_322 = arith.andi %get3A_312, %and3A_321 : vector<16xi32>
        %bitcast3A_323 = vector.bitcast %and3A_322 : vector<16xi32> to vector<16xf32>
        %swap3A_324 = arith.index_cast %add3A_309 : i32 to index
        %swap3A_325 = arith.constant 16 : index
        %swap3A_326 = tpu.vector_load %arg12[%swap3A_324, %swap3A_325] {strides = array<i32>} : memref<96x64xf32, #tpu.memory_space<vmem>>, vector<16xf32>,
        tpu.vector_store %arg12[%swap3A_324, %swap3A_325], %bitcast3A_323 {strides = array<i32>} : memref<96x64xf32, #tpu.memory_space<vmem>>, vector<16xf32>,
        %get3A_327 = arith.index_cast %add3A_309 : i32 to index
        %get3A_328 = arith.constant 16 : index
        %get3A_329 = tpu.vector_load %arg10[%get3A_327, %get3A_328] {strides = array<i32>} : memref<96x32xi32, #tpu.memory_space<vmem>>, vector<16xi32>,
        %shift_left3A_330 = arith.constant 16 : i32
        %shift_left3A_331 = vector.broadcast %shift_left3A_330 : i32 to vector<16xi32>
        %shift_left3A_332 = arith.shli %get3A_329, %shift_left3A_331 : vector<16xi32>
        %bitcast3A_333 = vector.bitcast %shift_left3A_332 : vector<16xi32> to vector<16xf32>
        %swap3A_334 = arith.index_cast %add3A_309 : i32 to index
        %swap3A_335 = arith.constant 32 : index
        %swap3A_336 = tpu.vector_load %arg12[%swap3A_334, %swap3A_335] {strides = array<i32>} : memref<96x64xf32, #tpu.memory_space<vmem>>, vector<16xf32>,
        tpu.vector_store %arg12[%swap3A_334, %swap3A_335], %bitcast3A_333 {strides = array<i32>} : memref<96x64xf32, #tpu.memory_space<vmem>>, vector<16xf32>,
        %and3A_337 = arith.constant -65536 : i32
        %and3A_338 = vector.broadcast %and3A_337 : i32 to vector<16xi32>
        %and3A_339 = arith.andi %get3A_329, %and3A_338 : vector<16xi32>
        %bitcast3A_340 = vector.bitcast %and3A_339 : vector<16xi32> to vector<16xf32>
        %swap3A_341 = arith.index_cast %add3A_309 : i32 to index
        %swap3A_342 = arith.constant 48 : index
        %swap3A_343 = tpu.vector_load %arg12[%swap3A_341, %swap3A_342] {strides = array<i32>} : memref<96x64xf32, #tpu.memory_space<vmem>>, vector<16xf32>,
        tpu.vector_store %arg12[%swap3A_341, %swap3A_342], %bitcast3A_340 {strides = array<i32>} : memref<96x64xf32, #tpu.memory_space<vmem>>, vector<16xf32>,
      }
      %scan3A_179 = arith.constant 24 : i32
      %add3A_180 = arith.constant 2 : i32
      %add3A_181 = arith.addi %mul3A_128, %add3A_180 : i32
      %add3A_182 = arith.constant 1 : i32
      %add3A_183 = arith.addi %add3A_181, %add3A_182 : i32
      %dma_start3A_184 = arith.constant 0 : i32
      %dma_start3A_185 = tpu.memref_slice %arg7[%add3A_183, %dma_start3A_184] : memref<108x96xi32, #tpu.memory_space<vmem>> -> memref<1x96xi32, #tpu.memory_space<vmem>>
      %dma_start3A_186 = tpu.memref_squeeze %dma_start3A_185 : memref<1x96xi32, #tpu.memory_space<vmem>> -> memref<96xi32, #tpu.memory_space<vmem>>
      %dma_start3A_187 = arith.constant 0 : i32
      %dma_start3A_188 = arith.constant 0 : i32
      %dma_start3A_189 = tpu.memref_slice %arg2[%scan3A_26, %dma_start3A_187, %dma_start3A_188] : memref<2x10000x32xi32, #tpu.memory_space<hbm>> -> memref<1x10000x32xi32, #tpu.memory_space<hbm>>
      %dma_start3A_190 = tpu.memref_squeeze %dma_start3A_189 : memref<1x10000x32xi32, #tpu.memory_space<hbm>> -> memref<10000x32xi32, #tpu.memory_space<hbm>>
      %dma_start3A_191 = arith.constant 0 : i32
      %dma_start3A_192 = arith.constant 0 : i32
      %dma_start3A_193 = tpu.memref_slice %dma_start3A_190[%dma_start3A_191, %dma_start3A_192] : memref<10000x32xi32, #tpu.memory_space<hbm>> -> memref<10000x32xi32, #tpu.memory_space<hbm>>
      tpu.enqueue_indirect_dma source(%dma_start3A_193 : memref<10000x32xi32, #tpu.memory_space<hbm>>) target(%arg10 : memref<96x32xi32, #tpu.memory_space<vmem>>) offsets(%dma_start3A_186 : memref<96xi32, #tpu.memory_space<vmem>>) semaphore(%arg15 : memref<!tpu.dma_semaphore, #tpu.memory_space<semaphore_mem>>)
      %add3A_194 = arith.constant 1 : i32
      %add3A_195 = arith.addi %mul3A_128, %add3A_194 : i32
      "tpu.region"() ({
        %run_scoped3A_196 = tpu.sem_alloc : memref<!tpu.dma_semaphore, #tpu.memory_space<semaphore_mem>>
        %dma_start3A_197 = arith.constant 0 : i32
        %dma_start3A_198 = tpu.memref_slice %arg8[%add3A_195, %dma_start3A_197] : memref<106x96xi32, #tpu.memory_space<vmem>> -> memref<1x96xi32, #tpu.memory_space<vmem>>
        %dma_start3A_199 = tpu.memref_squeeze %dma_start3A_198 : memref<1x96xi32, #tpu.memory_space<vmem>> -> memref<96xi32, #tpu.memory_space<vmem>>
        %dma_start3A_200 = arith.constant 0 : i32
        %dma_start3A_201 = arith.constant 0 : i32
        %dma_start3A_202 = tpu.memref_slice %arg13[%dma_start3A_200, %dma_start3A_201] : memref<10112x64xf32, #tpu.memory_space<vmem_shared>> -> memref<10112x64xf32, #tpu.memory_space<vmem_shared>>
        tpu.enqueue_indirect_dma source(%arg12 : memref<96x64xf32, #tpu.memory_space<vmem>>) target(%dma_start3A_202 : memref<10112x64xf32, #tpu.memory_space<vmem_shared>>) offsets(%dma_start3A_199 : memref<96xi32, #tpu.memory_space<vmem>>) semaphore(%run_scoped3A_196 : memref<!tpu.dma_semaphore, #tpu.memory_space<semaphore_mem>>) {add = true}
        %dma_wait3A_203 = arith.constant 0 : i32
        %dma_wait3A_204 = tpu.memref_slice %arg8[%add3A_195, %dma_wait3A_203] : memref<106x96xi32, #tpu.memory_space<vmem>> -> memref<1x96xi32, #tpu.memory_space<vmem>>
        %dma_wait3A_205 = tpu.memref_squeeze %dma_wait3A_204 : memref<1x96xi32, #tpu.memory_space<vmem>> -> memref<96xi32, #tpu.memory_space<vmem>>
        %dma_wait3A_206 = arith.constant 0 : i32
        %dma_wait3A_207 = arith.constant 0 : i32
        %dma_wait3A_208 = tpu.memref_slice %arg13[%dma_wait3A_206, %dma_wait3A_207] : memref<10112x64xf32, #tpu.memory_space<vmem_shared>> -> memref<10112x64xf32, #tpu.memory_space<vmem_shared>>
        tpu.wait_indirect_dma semaphore(%run_scoped3A_196 : memref<!tpu.dma_semaphore, #tpu.memory_space<semaphore_mem>>) src(%arg12 : memref<96x64xf32, #tpu.memory_space<vmem>>) dst(%dma_wait3A_208 : memref<10112x64xf32, #tpu.memory_space<vmem_shared>>)
        tpu.yield
      }) : () -> ()
    }
    %scan3A_31 = arith.constant 53 : i32
    %dma_wait3A = arith.constant 0 : i32
    %dma_wait3A_32 = arith.constant 106 : i32
    %dma_wait3A_33 = arith.constant 0 : i32
    %dma_wait3A_34 = tpu.memref_slice %arg7[%dma_wait3A_32, %dma_wait3A_33] : memref<108x96xi32, #tpu.memory_space<vmem>> -> memref<1x96xi32, #tpu.memory_space<vmem>>
    %dma_wait3A_35 = tpu.memref_squeeze %dma_wait3A_34 : memref<1x96xi32, #tpu.memory_space<vmem>> -> memref<96xi32, #tpu.memory_space<vmem>>
    %dma_wait3A_36 = arith.constant 0 : i32
    %dma_wait3A_37 = arith.constant 0 : i32
    %dma_wait3A_38 = tpu.memref_slice %arg2[%dma_wait3A, %dma_wait3A_36, %dma_wait3A_37] : memref<2x10000x32xi32, #tpu.memory_space<hbm>> -> memref<1x10000x32xi32, #tpu.memory_space<hbm>>
    %dma_wait3A_39 = tpu.memref_squeeze %dma_wait3A_38 : memref<1x10000x32xi32, #tpu.memory_space<hbm>> -> memref<10000x32xi32, #tpu.memory_space<hbm>>
    %dma_wait3A_40 = arith.constant 0 : i32
    %dma_wait3A_41 = arith.constant 0 : i32
    %dma_wait3A_42 = tpu.memref_slice %dma_wait3A_39[%dma_wait3A_40, %dma_wait3A_41] : memref<10000x32xi32, #tpu.memory_space<hbm>> -> memref<10000x32xi32, #tpu.memory_space<hbm>>
    tpu.wait_indirect_dma semaphore(%arg14 : memref<!tpu.dma_semaphore, #tpu.memory_space<semaphore_mem>>) src(%dma_wait3A_42 : memref<10000x32xi32, #tpu.memory_space<hbm>>) dst(%arg9 : memref<96x32xi32, #tpu.memory_space<vmem>>)
    %dma_wait3A_43 = arith.constant 0 : i32
    %dma_wait3A_44 = arith.constant 107 : i32
    %dma_wait3A_45 = arith.constant 0 : i32
    %dma_wait3A_46 = tpu.memref_slice %arg7[%dma_wait3A_44, %dma_wait3A_45] : memref<108x96xi32, #tpu.memory_space<vmem>> -> memref<1x96xi32, #tpu.memory_space<vmem>>
    %dma_wait3A_47 = tpu.memref_squeeze %dma_wait3A_46 : memref<1x96xi32, #tpu.memory_space<vmem>> -> memref<96xi32, #tpu.memory_space<vmem>>
    %dma_wait3A_48 = arith.constant 0 : i32
    %dma_wait3A_49 = arith.constant 0 : i32
    %dma_wait3A_50 = tpu.memref_slice %arg2[%dma_wait3A_43, %dma_wait3A_48, %dma_wait3A_49] : memref<2x10000x32xi32, #tpu.memory_space<hbm>> -> memref<1x10000x32xi32, #tpu.memory_space<hbm>>
    %dma_wait3A_51 = tpu.memref_squeeze %dma_wait3A_50 : memref<1x10000x32xi32, #tpu.memory_space<hbm>> -> memref<10000x32xi32, #tpu.memory_space<hbm>>
    %dma_wait3A_52 = arith.constant 0 : i32
    %dma_wait3A_53 = arith.constant 0 : i32
    %dma_wait3A_54 = tpu.memref_slice %dma_wait3A_51[%dma_wait3A_52, %dma_wait3A_53] : memref<10000x32xi32, #tpu.memory_space<hbm>> -> memref<10000x32xi32, #tpu.memory_space<hbm>>
    tpu.wait_indirect_dma semaphore(%arg15 : memref<!tpu.dma_semaphore, #tpu.memory_space<semaphore_mem>>) src(%dma_wait3A_54 : memref<10000x32xi32, #tpu.memory_space<hbm>>) dst(%arg10 : memref<96x32xi32, #tpu.memory_space<vmem>>)
    %barrier3A_55 = arith.constant 0 : index
    tpu.barrier barrier_id(%barrier3A_55)
    %mul3A_56 = arith.constant 632 : i32
    %mul3A_57 = arith.muli %arg1, %mul3A_56 : i32
    %mul3A_58 = arith.constant 632 : i32
    %mul3A_59 = arith.muli %arg1, %mul3A_58 : i32
    %run_scoped3A = arith.constant 0 : i32
    "tpu.region"() ({
      %run_scoped3A_126 = tpu.sem_alloc : memref<!tpu.dma_semaphore, #tpu.memory_space<semaphore_mem>>
      %dma_start3A_127 = arith.constant 0 : i32
      %dma_start3A_128 = tpu.memref_slice %arg6[%run_scoped3A, %arg0, %mul3A_59, %dma_start3A_127] : memref<2x2x10112x64xf32, #tpu.memory_space<hbm>> -> memref<1x1x632x64xf32, #tpu.memory_space<hbm>>
      %dma_start3A_129 = tpu.memref_squeeze %dma_start3A_128 : memref<1x1x632x64xf32, #tpu.memory_space<hbm>> -> memref<632x64xf32, #tpu.memory_space<hbm>>
      %dma_start3A_130 = arith.constant 0 : i32
      %dma_start3A_131 = tpu.memref_slice %arg13[%mul3A_57, %dma_start3A_130] : memref<10112x64xf32, #tpu.memory_space<vmem_shared>> -> memref<632x64xf32, #tpu.memory_space<vmem_shared>>
      tpu.enqueue_dma source(%dma_start3A_131 : memref<632x64xf32, #tpu.memory_space<vmem_shared>>) target(%dma_start3A_129 : memref<632x64xf32, #tpu.memory_space<hbm>>) target_semaphore(%run_scoped3A_126 : memref<!tpu.dma_semaphore, #tpu.memory_space<semaphore_mem>>)
      %dma_wait3A_132 = arith.constant 0 : i32
      %dma_wait3A_133 = tpu.memref_slice %arg6[%run_scoped3A, %arg0, %mul3A_59, %dma_wait3A_132] : memref<2x2x10112x64xf32, #tpu.memory_space<hbm>> -> memref<1x1x632x64xf32, #tpu.memory_space<hbm>>
      %dma_wait3A_134 = tpu.memref_squeeze %dma_wait3A_133 : memref<1x1x632x64xf32, #tpu.memory_space<hbm>> -> memref<632x64xf32, #tpu.memory_space<hbm>>
      %dma_wait3A_135 = arith.constant 0 : i32
      %dma_wait3A_136 = tpu.memref_slice %arg13[%mul3A_57, %dma_wait3A_135] : memref<10112x64xf32, #tpu.memory_space<vmem_shared>> -> memref<632x64xf32, #tpu.memory_space<vmem_shared>>
      tpu.wait_dma2 semaphore(%run_scoped3A_126 : memref<!tpu.dma_semaphore, #tpu.memory_space<semaphore_mem>>) src(%dma_wait3A_136 : memref<632x64xf32, #tpu.memory_space<vmem_shared>>) dst(%dma_wait3A_134 : memref<632x64xf32, #tpu.memory_space<hbm>>)
      tpu.yield
    }) : () -> ()
    %mul3A_60 = arith.constant 632 : i32
    %mul3A_61 = arith.muli %arg1, %mul3A_60 : i32
    %mul3A_62 = arith.constant 632 : i32
    %mul3A_63 = arith.muli %arg1, %mul3A_62 : i32
    "tpu.region"() ({
      %run_scoped3A_126 = tpu.sem_alloc : memref<!tpu.dma_semaphore, #tpu.memory_space<semaphore_mem>>
      %dma_start3A_127 = arith.constant 0 : i32
      %dma_start3A_128 = tpu.memref_slice %arg13[%mul3A_63, %dma_start3A_127] : memref<10112x64xf32, #tpu.memory_space<vmem_shared>> -> memref<632x64xf32, #tpu.memory_space<vmem_shared>>
      %dma_start3A_129 = arith.constant 0 : i32
      %dma_start3A_130 = tpu.memref_slice %arg5[%mul3A_61, %dma_start3A_129] : memref<10112x64xf32, #tpu.memory_space<hbm>> -> memref<632x64xf32, #tpu.memory_space<hbm>>
      tpu.enqueue_dma source(%dma_start3A_130 : memref<632x64xf32, #tpu.memory_space<hbm>>) target(%dma_start3A_128 : memref<632x64xf32, #tpu.memory_space<vmem_shared>>) target_semaphore(%run_scoped3A_126 : memref<!tpu.dma_semaphore, #tpu.memory_space<semaphore_mem>>)
      %dma_wait3A_131 = arith.constant 0 : i32
      %dma_wait3A_132 = tpu.memref_slice %arg13[%mul3A_63, %dma_wait3A_131] : memref<10112x64xf32, #tpu.memory_space<vmem_shared>> -> memref<632x64xf32, #tpu.memory_space<vmem_shared>>
      %dma_wait3A_133 = arith.constant 0 : i32
      %dma_wait3A_134 = tpu.memref_slice %arg5[%mul3A_61, %dma_wait3A_133] : memref<10112x64xf32, #tpu.memory_space<hbm>> -> memref<632x64xf32, #tpu.memory_space<hbm>>
      tpu.wait_dma2 semaphore(%run_scoped3A_126 : memref<!tpu.dma_semaphore, #tpu.memory_space<semaphore_mem>>) src(%dma_wait3A_134 : memref<632x64xf32, #tpu.memory_space<hbm>>) dst(%dma_wait3A_132 : memref<632x64xf32, #tpu.memory_space<vmem_shared>>)
      tpu.yield
    }) : () -> ()
    %barrier3A_64 = arith.constant 0 : index
    tpu.barrier barrier_id(%barrier3A_64)
    %dma_start3A_65 = arith.constant 1 : i32
    %dma_start3A_66 = arith.constant 0 : i32
    %dma_start3A_67 = arith.constant 0 : i32
    %dma_start3A_68 = tpu.memref_slice %arg7[%dma_start3A_66, %dma_start3A_67] : memref<108x96xi32, #tpu.memory_space<vmem>> -> memref<1x96xi32, #tpu.memory_space<vmem>>
    %dma_start3A_69 = tpu.memref_squeeze %dma_start3A_68 : memref<1x96xi32, #tpu.memory_space<vmem>> -> memref<96xi32, #tpu.memory_space<vmem>>
    %dma_start3A_70 = arith.constant 0 : i32
    %dma_start3A_71 = arith.constant 0 : i32
    %dma_start3A_72 = tpu.memref_slice %arg2[%dma_start3A_65, %dma_start3A_70, %dma_start3A_71] : memref<2x10000x32xi32, #tpu.memory_space<hbm>> -> memref<1x10000x32xi32, #tpu.memory_space<hbm>>
    %dma_start3A_73 = tpu.memref_squeeze %dma_start3A_72 : memref<1x10000x32xi32, #tpu.memory_space<hbm>> -> memref<10000x32xi32, #tpu.memory_space<hbm>>
    %dma_start3A_74 = arith.constant 0 : i32
    %dma_start3A_75 = arith.constant 0 : i32
    %dma_start3A_76 = tpu.memref_slice %dma_start3A_73[%dma_start3A_74, %dma_start3A_75] : memref<10000x32xi32, #tpu.memory_space<hbm>> -> memref<10000x32xi32, #tpu.memory_space<hbm>>
    tpu.enqueue_indirect_dma source(%dma_start3A_76 : memref<10000x32xi32, #tpu.memory_space<hbm>>) target(%arg9 : memref<96x32xi32, #tpu.memory_space<vmem>>) offsets(%dma_start3A_69 : memref<96xi32, #tpu.memory_space<vmem>>) semaphore(%arg14 : memref<!tpu.dma_semaphore, #tpu.memory_space<semaphore_mem>>)
    %dma_start3A_77 = arith.constant 1 : i32
    %dma_start3A_78 = arith.constant 1 : i32
    %dma_start3A_79 = arith.constant 0 : i32
    %dma_start3A_80 = tpu.memref_slice %arg7[%dma_start3A_78, %dma_start3A_79] : memref<108x96xi32, #tpu.memory_space<vmem>> -> memref<1x96xi32, #tpu.memory_space<vmem>>
    %dma_start3A_81 = tpu.memref_squeeze %dma_start3A_80 : memref<1x96xi32, #tpu.memory_space<vmem>> -> memref<96xi32, #tpu.memory_space<vmem>>
    %dma_start3A_82 = arith.constant 0 : i32
    %dma_start3A_83 = arith.constant 0 : i32
    %dma_start3A_84 = tpu.memref_slice %arg2[%dma_start3A_77, %dma_start3A_82, %dma_start3A_83] : memref<2x10000x32xi32, #tpu.memory_space<hbm>> -> memref<1x10000x32xi32, #tpu.memory_space<hbm>>
    %dma_start3A_85 = tpu.memref_squeeze %dma_start3A_84 : memref<1x10000x32xi32, #tpu.memory_space<hbm>> -> memref<10000x32xi32, #tpu.memory_space<hbm>>
    %dma_start3A_86 = arith.constant 0 : i32
    %dma_start3A_87 = arith.constant 0 : i32
    %dma_start3A_88 = tpu.memref_slice %dma_start3A_85[%dma_start3A_86, %dma_start3A_87] : memref<10000x32xi32, #tpu.memory_space<hbm>> -> memref<10000x32xi32, #tpu.memory_space<hbm>>
    tpu.enqueue_indirect_dma source(%dma_start3A_88 : memref<10000x32xi32, #tpu.memory_space<hbm>>) target(%arg10 : memref<96x32xi32, #tpu.memory_space<vmem>>) offsets(%dma_start3A_81 : memref<96xi32, #tpu.memory_space<vmem>>) semaphore(%arg15 : memref<!tpu.dma_semaphore, #tpu.memory_space<semaphore_mem>>)
    %scan3A_89 = arith.constant 0 : i32
    %scan3A_90 = arith.constant 1 : i32
    %scan3A_91 = arith.constant 0 : i32
    %scan3A_92 = arith.constant 53 : i32
    %scan3A_93 = arith.addi %scan3A_91, %scan3A_92 : i32
    %scan3A_94 = arith.constant 1 : i32
    scf.for %scan3A_126 = %scan3A_91 to %scan3A_93 step %scan3A_94  : i32 {
      %mul3A_127 = arith.constant 2 : i32
      %mul3A_128 = arith.muli %mul3A_127, %scan3A_126 : i32
      %add3A = arith.constant 0 : i32
      %add3A_129 = arith.addi %mul3A_128, %add3A : i32
      %dma_wait3A_130 = arith.constant 0 : i32
      %dma_wait3A_131 = tpu.memref_slice %arg7[%add3A_129, %dma_wait3A_130] : memref<108x96xi32, #tpu.memory_space<vmem>> -> memref<1x96xi32, #tpu.memory_space<vmem>>
      %dma_wait3A_132 = tpu.memref_squeeze %dma_wait3A_131 : memref<1x96xi32, #tpu.memory_space<vmem>> -> memref<96xi32, #tpu.memory_space<vmem>>
      %dma_wait3A_133 = arith.constant 0 : i32
      %dma_wait3A_134 = arith.constant 0 : i32
      %dma_wait3A_135 = tpu.memref_slice %arg2[%scan3A_90, %dma_wait3A_133, %dma_wait3A_134] : memref<2x10000x32xi32, #tpu.memory_space<hbm>> -> memref<1x10000x32xi32, #tpu.memory_space<hbm>>
      %dma_wait3A_136 = tpu.memref_squeeze %dma_wait3A_135 : memref<1x10000x32xi32, #tpu.memory_space<hbm>> -> memref<10000x32xi32, #tpu.memory_space<hbm>>
      %dma_wait3A_137 = arith.constant 0 : i32
      %dma_wait3A_138 = arith.constant 0 : i32
      %dma_wait3A_139 = tpu.memref_slice %dma_wait3A_136[%dma_wait3A_137, %dma_wait3A_138] : memref<10000x32xi32, #tpu.memory_space<hbm>> -> memref<10000x32xi32, #tpu.memory_space<hbm>>
      tpu.wait_indirect_dma semaphore(%arg14 : memref<!tpu.dma_semaphore, #tpu.memory_space<semaphore_mem>>) src(%dma_wait3A_139 : memref<10000x32xi32, #tpu.memory_space<hbm>>) dst(%arg9 : memref<96x32xi32, #tpu.memory_space<vmem>>)
      %scan3A_140 = arith.constant 0 : i32
      %scan3A_141 = arith.constant 0 : i32
      %scan3A_142 = arith.constant 24 : i32
      %scan3A_143 = arith.addi %scan3A_141, %scan3A_142 : i32
      %scan3A_144 = arith.constant 1 : i32
      scf.for %scan3A_196 = %scan3A_141 to %scan3A_143 step %scan3A_144  : i32 {
        %mul3A_197 = arith.constant 4 : i32
        %mul3A_198 = arith.muli %mul3A_197, %scan3A_196 : i32
        %add3A_199 = arith.constant 0 : i32
        %add3A_200 = arith.addi %mul3A_198, %add3A_199 : i32
        %get3A = arith.index_cast %add3A_200 : i32 to index
        %get3A_201 = arith.constant 0 : index
        %get3A_202 = tpu.vector_load %arg9[%get3A, %get3A_201] {strides = array<i32>} : memref<96x32xi32, #tpu.memory_space<vmem>>, vector<16xi32>,
        %shift_left3A = arith.constant 16 : i32
        %shift_left3A_203 = vector.broadcast %shift_left3A : i32 to vector<16xi32>
        %shift_left3A_204 = arith.shli %get3A_202, %shift_left3A_203 : vector<16xi32>
        %bitcast3A = vector.bitcast %shift_left3A_204 : vector<16xi32> to vector<16xf32>
        %swap3A = arith.index_cast %add3A_200 : i32 to index
        %swap3A_205 = arith.constant 0 : index
        %swap3A_206 = tpu.vector_load %arg11[%swap3A, %swap3A_205] {strides = array<i32>} : memref<96x64xf32, #tpu.memory_space<vmem>>, vector<16xf32>,
        tpu.vector_store %arg11[%swap3A, %swap3A_205], %bitcast3A {strides = array<i32>} : memref<96x64xf32, #tpu.memory_space<vmem>>, vector<16xf32>,
        %and3A = arith.constant -65536 : i32
        %and3A_207 = vector.broadcast %and3A : i32 to vector<16xi32>
        %and3A_208 = arith.andi %get3A_202, %and3A_207 : vector<16xi32>
        %bitcast3A_209 = vector.bitcast %and3A_208 : vector<16xi32> to vector<16xf32>
        %swap3A_210 = arith.index_cast %add3A_200 : i32 to index
        %swap3A_211 = arith.constant 16 : index
        %swap3A_212 = tpu.vector_load %arg11[%swap3A_210, %swap3A_211] {strides = array<i32>} : memref<96x64xf32, #tpu.memory_space<vmem>>, vector<16xf32>,
        tpu.vector_store %arg11[%swap3A_210, %swap3A_211], %bitcast3A_209 {strides = array<i32>} : memref<96x64xf32, #tpu.memory_space<vmem>>, vector<16xf32>,
        %get3A_213 = arith.index_cast %add3A_200 : i32 to index
        %get3A_214 = arith.constant 16 : index
        %get3A_215 = tpu.vector_load %arg9[%get3A_213, %get3A_214] {strides = array<i32>} : memref<96x32xi32, #tpu.memory_space<vmem>>, vector<16xi32>,
        %shift_left3A_216 = arith.constant 16 : i32
        %shift_left3A_217 = vector.broadcast %shift_left3A_216 : i32 to vector<16xi32>
        %shift_left3A_218 = arith.shli %get3A_215, %shift_left3A_217 : vector<16xi32>
        %bitcast3A_219 = vector.bitcast %shift_left3A_218 : vector<16xi32> to vector<16xf32>
        %swap3A_220 = arith.index_cast %add3A_200 : i32 to index
        %swap3A_221 = arith.constant 32 : index
        %swap3A_222 = tpu.vector_load %arg11[%swap3A_220, %swap3A_221] {strides = array<i32>} : memref<96x64xf32, #tpu.memory_space<vmem>>, vector<16xf32>,
        tpu.vector_store %arg11[%swap3A_220, %swap3A_221], %bitcast3A_219 {strides = array<i32>} : memref<96x64xf32, #tpu.memory_space<vmem>>, vector<16xf32>,
        %and3A_223 = arith.constant -65536 : i32
        %and3A_224 = vector.broadcast %and3A_223 : i32 to vector<16xi32>
        %and3A_225 = arith.andi %get3A_215, %and3A_224 : vector<16xi32>
        %bitcast3A_226 = vector.bitcast %and3A_225 : vector<16xi32> to vector<16xf32>
        %swap3A_227 = arith.index_cast %add3A_200 : i32 to index
        %swap3A_228 = arith.constant 48 : index
        %swap3A_229 = tpu.vector_load %arg11[%swap3A_227, %swap3A_228] {strides = array<i32>} : memref<96x64xf32, #tpu.memory_space<vmem>>, vector<16xf32>,
        tpu.vector_store %arg11[%swap3A_227, %swap3A_228], %bitcast3A_226 {strides = array<i32>} : memref<96x64xf32, #tpu.memory_space<vmem>>, vector<16xf32>,
        %mul3A_230 = arith.constant 4 : i32
        %mul3A_231 = arith.muli %mul3A_230, %scan3A_196 : i32
        %add3A_232 = arith.constant 1 : i32
        %add3A_233 = arith.addi %mul3A_231, %add3A_232 : i32
        %get3A_234 = arith.index_cast %add3A_233 : i32 to index
        %get3A_235 = arith.constant 0 : index
        %get3A_236 = tpu.vector_load %arg9[%get3A_234, %get3A_235] {strides = array<i32>} : memref<96x32xi32, #tpu.memory_space<vmem>>, vector<16xi32>,
        %shift_left3A_237 = arith.constant 16 : i32
        %shift_left3A_238 = vector.broadcast %shift_left3A_237 : i32 to vector<16xi32>
        %shift_left3A_239 = arith.shli %get3A_236, %shift_left3A_238 : vector<16xi32>
        %bitcast3A_240 = vector.bitcast %shift_left3A_239 : vector<16xi32> to vector<16xf32>
        %swap3A_241 = arith.index_cast %add3A_233 : i32 to index
        %swap3A_242 = arith.constant 0 : index
        %swap3A_243 = tpu.vector_load %arg11[%swap3A_241, %swap3A_242] {strides = array<i32>} : memref<96x64xf32, #tpu.memory_space<vmem>>, vector<16xf32>,
        tpu.vector_store %arg11[%swap3A_241, %swap3A_242], %bitcast3A_240 {strides = array<i32>} : memref<96x64xf32, #tpu.memory_space<vmem>>, vector<16xf32>,
        %and3A_244 = arith.constant -65536 : i32
        %and3A_245 = vector.broadcast %and3A_244 : i32 to vector<16xi32>
        %and3A_246 = arith.andi %get3A_236, %and3A_245 : vector<16xi32>
        %bitcast3A_247 = vector.bitcast %and3A_246 : vector<16xi32> to vector<16xf32>
        %swap3A_248 = arith.index_cast %add3A_233 : i32 to index
        %swap3A_249 = arith.constant 16 : index
        %swap3A_250 = tpu.vector_load %arg11[%swap3A_248, %swap3A_249] {strides = array<i32>} : memref<96x64xf32, #tpu.memory_space<vmem>>, vector<16xf32>,
        tpu.vector_store %arg11[%swap3A_248, %swap3A_249], %bitcast3A_247 {strides = array<i32>} : memref<96x64xf32, #tpu.memory_space<vmem>>, vector<16xf32>,
        %get3A_251 = arith.index_cast %add3A_233 : i32 to index
        %get3A_252 = arith.constant 16 : index
        %get3A_253 = tpu.vector_load %arg9[%get3A_251, %get3A_252] {strides = array<i32>} : memref<96x32xi32, #tpu.memory_space<vmem>>, vector<16xi32>,
        %shift_left3A_254 = arith.constant 16 : i32
        %shift_left3A_255 = vector.broadcast %shift_left3A_254 : i32 to vector<16xi32>
        %shift_left3A_256 = arith.shli %get3A_253, %shift_left3A_255 : vector<16xi32>
        %bitcast3A_257 = vector.bitcast %shift_left3A_256 : vector<16xi32> to vector<16xf32>
        %swap3A_258 = arith.index_cast %add3A_233 : i32 to index
        %swap3A_259 = arith.constant 32 : index
        %swap3A_260 = tpu.vector_load %arg11[%swap3A_258, %swap3A_259] {strides = array<i32>} : memref<96x64xf32, #tpu.memory_space<vmem>>, vector<16xf32>,
        tpu.vector_store %arg11[%swap3A_258, %swap3A_259], %bitcast3A_257 {strides = array<i32>} : memref<96x64xf32, #tpu.memory_space<vmem>>, vector<16xf32>,
        %and3A_261 = arith.constant -65536 : i32
        %and3A_262 = vector.broadcast %and3A_261 : i32 to vector<16xi32>
        %and3A_263 = arith.andi %get3A_253, %and3A_262 : vector<16xi32>
        %bitcast3A_264 = vector.bitcast %and3A_263 : vector<16xi32> to vector<16xf32>
        %swap3A_265 = arith.index_cast %add3A_233 : i32 to index
        %swap3A_266 = arith.constant 48 : index
        %swap3A_267 = tpu.vector_load %arg11[%swap3A_265, %swap3A_266] {strides = array<i32>} : memref<96x64xf32, #tpu.memory_space<vmem>>, vector<16xf32>,
        tpu.vector_store %arg11[%swap3A_265, %swap3A_266], %bitcast3A_264 {strides = array<i32>} : memref<96x64xf32, #tpu.memory_space<vmem>>, vector<16xf32>,
        %mul3A_268 = arith.constant 4 : i32
        %mul3A_269 = arith.muli %mul3A_268, %scan3A_196 : i32
        %add3A_270 = arith.constant 2 : i32
        %add3A_271 = arith.addi %mul3A_269, %add3A_270 : i32
        %get3A_272 = arith.index_cast %add3A_271 : i32 to index
        %get3A_273 = arith.constant 0 : index
        %get3A_274 = tpu.vector_load %arg9[%get3A_272, %get3A_273] {strides = array<i32>} : memref<96x32xi32, #tpu.memory_space<vmem>>, vector<16xi32>,
        %shift_left3A_275 = arith.constant 16 : i32
        %shift_left3A_276 = vector.broadcast %shift_left3A_275 : i32 to vector<16xi32>
        %shift_left3A_277 = arith.shli %get3A_274, %shift_left3A_276 : vector<16xi32>
        %bitcast3A_278 = vector.bitcast %shift_left3A_277 : vector<16xi32> to vector<16xf32>
        %swap3A_279 = arith.index_cast %add3A_271 : i32 to index
        %swap3A_280 = arith.constant 0 : index
        %swap3A_281 = tpu.vector_load %arg11[%swap3A_279, %swap3A_280] {strides = array<i32>} : memref<96x64xf32, #tpu.memory_space<vmem>>, vector<16xf32>,
        tpu.vector_store %arg11[%swap3A_279, %swap3A_280], %bitcast3A_278 {strides = array<i32>} : memref<96x64xf32, #tpu.memory_space<vmem>>, vector<16xf32>,
        %and3A_282 = arith.constant -65536 : i32
        %and3A_283 = vector.broadcast %and3A_282 : i32 to vector<16xi32>
        %and3A_284 = arith.andi %get3A_274, %and3A_283 : vector<16xi32>
        %bitcast3A_285 = vector.bitcast %and3A_284 : vector<16xi32> to vector<16xf32>
        %swap3A_286 = arith.index_cast %add3A_271 : i32 to index
        %swap3A_287 = arith.constant 16 : index
        %swap3A_288 = tpu.vector_load %arg11[%swap3A_286, %swap3A_287] {strides = array<i32>} : memref<96x64xf32, #tpu.memory_space<vmem>>, vector<16xf32>,
        tpu.vector_store %arg11[%swap3A_286, %swap3A_287], %bitcast3A_285 {strides = array<i32>} : memref<96x64xf32, #tpu.memory_space<vmem>>, vector<16xf32>,
        %get3A_289 = arith.index_cast %add3A_271 : i32 to index
        %get3A_290 = arith.constant 16 : index
        %get3A_291 = tpu.vector_load %arg9[%get3A_289, %get3A_290] {strides = array<i32>} : memref<96x32xi32, #tpu.memory_space<vmem>>, vector<16xi32>,
        %shift_left3A_292 = arith.constant 16 : i32
        %shift_left3A_293 = vector.broadcast %shift_left3A_292 : i32 to vector<16xi32>
        %shift_left3A_294 = arith.shli %get3A_291, %shift_left3A_293 : vector<16xi32>
        %bitcast3A_295 = vector.bitcast %shift_left3A_294 : vector<16xi32> to vector<16xf32>
        %swap3A_296 = arith.index_cast %add3A_271 : i32 to index
        %swap3A_297 = arith.constant 32 : index
        %swap3A_298 = tpu.vector_load %arg11[%swap3A_296, %swap3A_297] {strides = array<i32>} : memref<96x64xf32, #tpu.memory_space<vmem>>, vector<16xf32>,
        tpu.vector_store %arg11[%swap3A_296, %swap3A_297], %bitcast3A_295 {strides = array<i32>} : memref<96x64xf32, #tpu.memory_space<vmem>>, vector<16xf32>,
        %and3A_299 = arith.constant -65536 : i32
        %and3A_300 = vector.broadcast %and3A_299 : i32 to vector<16xi32>
        %and3A_301 = arith.andi %get3A_291, %and3A_300 : vector<16xi32>
        %bitcast3A_302 = vector.bitcast %and3A_301 : vector<16xi32> to vector<16xf32>
        %swap3A_303 = arith.index_cast %add3A_271 : i32 to index
        %swap3A_304 = arith.constant 48 : index
        %swap3A_305 = tpu.vector_load %arg11[%swap3A_303, %swap3A_304] {strides = array<i32>} : memref<96x64xf32, #tpu.memory_space<vmem>>, vector<16xf32>,
        tpu.vector_store %arg11[%swap3A_303, %swap3A_304], %bitcast3A_302 {strides = array<i32>} : memref<96x64xf32, #tpu.memory_space<vmem>>, vector<16xf32>,
        %mul3A_306 = arith.constant 4 : i32
        %mul3A_307 = arith.muli %mul3A_306, %scan3A_196 : i32
        %add3A_308 = arith.constant 3 : i32
        %add3A_309 = arith.addi %mul3A_307, %add3A_308 : i32
        %get3A_310 = arith.index_cast %add3A_309 : i32 to index
        %get3A_311 = arith.constant 0 : index
        %get3A_312 = tpu.vector_load %arg9[%get3A_310, %get3A_311] {strides = array<i32>} : memref<96x32xi32, #tpu.memory_space<vmem>>, vector<16xi32>,
        %shift_left3A_313 = arith.constant 16 : i32
        %shift_left3A_314 = vector.broadcast %shift_left3A_313 : i32 to vector<16xi32>
        %shift_left3A_315 = arith.shli %get3A_312, %shift_left3A_314 : vector<16xi32>
        %bitcast3A_316 = vector.bitcast %shift_left3A_315 : vector<16xi32> to vector<16xf32>
        %swap3A_317 = arith.index_cast %add3A_309 : i32 to index
        %swap3A_318 = arith.constant 0 : index
        %swap3A_319 = tpu.vector_load %arg11[%swap3A_317, %swap3A_318] {strides = array<i32>} : memref<96x64xf32, #tpu.memory_space<vmem>>, vector<16xf32>,
        tpu.vector_store %arg11[%swap3A_317, %swap3A_318], %bitcast3A_316 {strides = array<i32>} : memref<96x64xf32, #tpu.memory_space<vmem>>, vector<16xf32>,
        %and3A_320 = arith.constant -65536 : i32
        %and3A_321 = vector.broadcast %and3A_320 : i32 to vector<16xi32>
        %and3A_322 = arith.andi %get3A_312, %and3A_321 : vector<16xi32>
        %bitcast3A_323 = vector.bitcast %and3A_322 : vector<16xi32> to vector<16xf32>
        %swap3A_324 = arith.index_cast %add3A_309 : i32 to index
        %swap3A_325 = arith.constant 16 : index
        %swap3A_326 = tpu.vector_load %arg11[%swap3A_324, %swap3A_325] {strides = array<i32>} : memref<96x64xf32, #tpu.memory_space<vmem>>, vector<16xf32>,
        tpu.vector_store %arg11[%swap3A_324, %swap3A_325], %bitcast3A_323 {strides = array<i32>} : memref<96x64xf32, #tpu.memory_space<vmem>>, vector<16xf32>,
        %get3A_327 = arith.index_cast %add3A_309 : i32 to index
        %get3A_328 = arith.constant 16 : index
        %get3A_329 = tpu.vector_load %arg9[%get3A_327, %get3A_328] {strides = array<i32>} : memref<96x32xi32, #tpu.memory_space<vmem>>, vector<16xi32>,
        %shift_left3A_330 = arith.constant 16 : i32
        %shift_left3A_331 = vector.broadcast %shift_left3A_330 : i32 to vector<16xi32>
        %shift_left3A_332 = arith.shli %get3A_329, %shift_left3A_331 : vector<16xi32>
        %bitcast3A_333 = vector.bitcast %shift_left3A_332 : vector<16xi32> to vector<16xf32>
        %swap3A_334 = arith.index_cast %add3A_309 : i32 to index
        %swap3A_335 = arith.constant 32 : index
        %swap3A_336 = tpu.vector_load %arg11[%swap3A_334, %swap3A_335] {strides = array<i32>} : memref<96x64xf32, #tpu.memory_space<vmem>>, vector<16xf32>,
        tpu.vector_store %arg11[%swap3A_334, %swap3A_335], %bitcast3A_333 {strides = array<i32>} : memref<96x64xf32, #tpu.memory_space<vmem>>, vector<16xf32>,
        %and3A_337 = arith.constant -65536 : i32
        %and3A_338 = vector.broadcast %and3A_337 : i32 to vector<16xi32>
        %and3A_339 = arith.andi %get3A_329, %and3A_338 : vector<16xi32>
        %bitcast3A_340 = vector.bitcast %and3A_339 : vector<16xi32> to vector<16xf32>
        %swap3A_341 = arith.index_cast %add3A_309 : i32 to index
        %swap3A_342 = arith.constant 48 : index
        %swap3A_343 = tpu.vector_load %arg11[%swap3A_341, %swap3A_342] {strides = array<i32>} : memref<96x64xf32, #tpu.memory_space<vmem>>, vector<16xf32>,
        tpu.vector_store %arg11[%swap3A_341, %swap3A_342], %bitcast3A_340 {strides = array<i32>} : memref<96x64xf32, #tpu.memory_space<vmem>>, vector<16xf32>,
      }
      %scan3A_145 = arith.constant 24 : i32
      %add3A_146 = arith.constant 2 : i32
      %add3A_147 = arith.addi %mul3A_128, %add3A_146 : i32
      %add3A_148 = arith.constant 0 : i32
      %add3A_149 = arith.addi %add3A_147, %add3A_148 : i32
      %dma_start3A_150 = arith.constant 0 : i32
      %dma_start3A_151 = tpu.memref_slice %arg7[%add3A_149, %dma_start3A_150] : memref<108x96xi32, #tpu.memory_space<vmem>> -> memref<1x96xi32, #tpu.memory_space<vmem>>
      %dma_start3A_152 = tpu.memref_squeeze %dma_start3A_151 : memref<1x96xi32, #tpu.memory_space<vmem>> -> memref<96xi32, #tpu.memory_space<vmem>>
      %dma_start3A_153 = arith.constant 0 : i32
      %dma_start3A_154 = arith.constant 0 : i32
      %dma_start3A_155 = tpu.memref_slice %arg2[%scan3A_90, %dma_start3A_153, %dma_start3A_154] : memref<2x10000x32xi32, #tpu.memory_space<hbm>> -> memref<1x10000x32xi32, #tpu.memory_space<hbm>>
      %dma_start3A_156 = tpu.memref_squeeze %dma_start3A_155 : memref<1x10000x32xi32, #tpu.memory_space<hbm>> -> memref<10000x32xi32, #tpu.memory_space<hbm>>
      %dma_start3A_157 = arith.constant 0 : i32
      %dma_start3A_158 = arith.constant 0 : i32
      %dma_start3A_159 = tpu.memref_slice %dma_start3A_156[%dma_start3A_157, %dma_start3A_158] : memref<10000x32xi32, #tpu.memory_space<hbm>> -> memref<10000x32xi32, #tpu.memory_space<hbm>>
      tpu.enqueue_indirect_dma source(%dma_start3A_159 : memref<10000x32xi32, #tpu.memory_space<hbm>>) target(%arg9 : memref<96x32xi32, #tpu.memory_space<vmem>>) offsets(%dma_start3A_152 : memref<96xi32, #tpu.memory_space<vmem>>) semaphore(%arg14 : memref<!tpu.dma_semaphore, #tpu.memory_space<semaphore_mem>>)
      %add3A_160 = arith.constant 0 : i32
      %add3A_161 = arith.addi %mul3A_128, %add3A_160 : i32
      "tpu.region"() ({
        %run_scoped3A_196 = tpu.sem_alloc : memref<!tpu.dma_semaphore, #tpu.memory_space<semaphore_mem>>
        %dma_start3A_197 = arith.constant 0 : i32
        %dma_start3A_198 = tpu.memref_slice %arg8[%add3A_161, %dma_start3A_197] : memref<106x96xi32, #tpu.memory_space<vmem>> -> memref<1x96xi32, #tpu.memory_space<vmem>>
        %dma_start3A_199 = tpu.memref_squeeze %dma_start3A_198 : memref<1x96xi32, #tpu.memory_space<vmem>> -> memref<96xi32, #tpu.memory_space<vmem>>
        %dma_start3A_200 = arith.constant 0 : i32
        %dma_start3A_201 = arith.constant 0 : i32
        %dma_start3A_202 = tpu.memref_slice %arg13[%dma_start3A_200, %dma_start3A_201] : memref<10112x64xf32, #tpu.memory_space<vmem_shared>> -> memref<10112x64xf32, #tpu.memory_space<vmem_shared>>
        tpu.enqueue_indirect_dma source(%arg11 : memref<96x64xf32, #tpu.memory_space<vmem>>) target(%dma_start3A_202 : memref<10112x64xf32, #tpu.memory_space<vmem_shared>>) offsets(%dma_start3A_199 : memref<96xi32, #tpu.memory_space<vmem>>) semaphore(%run_scoped3A_196 : memref<!tpu.dma_semaphore, #tpu.memory_space<semaphore_mem>>) {add = true}
        %dma_wait3A_203 = arith.constant 0 : i32
        %dma_wait3A_204 = tpu.memref_slice %arg8[%add3A_161, %dma_wait3A_203] : memref<106x96xi32, #tpu.memory_space<vmem>> -> memref<1x96xi32, #tpu.memory_space<vmem>>
        %dma_wait3A_205 = tpu.memref_squeeze %dma_wait3A_204 : memref<1x96xi32, #tpu.memory_space<vmem>> -> memref<96xi32, #tpu.memory_space<vmem>>
        %dma_wait3A_206 = arith.constant 0 : i32
        %dma_wait3A_207 = arith.constant 0 : i32
        %dma_wait3A_208 = tpu.memref_slice %arg13[%dma_wait3A_206, %dma_wait3A_207] : memref<10112x64xf32, #tpu.memory_space<vmem_shared>> -> memref<10112x64xf32, #tpu.memory_space<vmem_shared>>
        tpu.wait_indirect_dma semaphore(%run_scoped3A_196 : memref<!tpu.dma_semaphore, #tpu.memory_space<semaphore_mem>>) src(%arg11 : memref<96x64xf32, #tpu.memory_space<vmem>>) dst(%dma_wait3A_208 : memref<10112x64xf32, #tpu.memory_space<vmem_shared>>)
        tpu.yield
      }) : () -> ()
      %add3A_162 = arith.constant 1 : i32
      %add3A_163 = arith.addi %mul3A_128, %add3A_162 : i32
      %dma_wait3A_164 = arith.constant 0 : i32
      %dma_wait3A_165 = tpu.memref_slice %arg7[%add3A_163, %dma_wait3A_164] : memref<108x96xi32, #tpu.memory_space<vmem>> -> memref<1x96xi32, #tpu.memory_space<vmem>>
      %dma_wait3A_166 = tpu.memref_squeeze %dma_wait3A_165 : memref<1x96xi32, #tpu.memory_space<vmem>> -> memref<96xi32, #tpu.memory_space<vmem>>
      %dma_wait3A_167 = arith.constant 0 : i32
      %dma_wait3A_168 = arith.constant 0 : i32
      %dma_wait3A_169 = tpu.memref_slice %arg2[%scan3A_90, %dma_wait3A_167, %dma_wait3A_168] : memref<2x10000x32xi32, #tpu.memory_space<hbm>> -> memref<1x10000x32xi32, #tpu.memory_space<hbm>>
      %dma_wait3A_170 = tpu.memref_squeeze %dma_wait3A_169 : memref<1x10000x32xi32, #tpu.memory_space<hbm>> -> memref<10000x32xi32, #tpu.memory_space<hbm>>
      %dma_wait3A_171 = arith.constant 0 : i32
      %dma_wait3A_172 = arith.constant 0 : i32
      %dma_wait3A_173 = tpu.memref_slice %dma_wait3A_170[%dma_wait3A_171, %dma_wait3A_172] : memref<10000x32xi32, #tpu.memory_space<hbm>> -> memref<10000x32xi32, #tpu.memory_space<hbm>>
      tpu.wait_indirect_dma semaphore(%arg15 : memref<!tpu.dma_semaphore, #tpu.memory_space<semaphore_mem>>) src(%dma_wait3A_173 : memref<10000x32xi32, #tpu.memory_space<hbm>>) dst(%arg10 : memref<96x32xi32, #tpu.memory_space<vmem>>)
      %scan3A_174 = arith.constant 0 : i32
      %scan3A_175 = arith.constant 0 : i32
      %scan3A_176 = arith.constant 24 : i32
      %scan3A_177 = arith.addi %scan3A_175, %scan3A_176 : i32
      %scan3A_178 = arith.constant 1 : i32
      scf.for %scan3A_196 = %scan3A_175 to %scan3A_177 step %scan3A_178  : i32 {
        %mul3A_197 = arith.constant 4 : i32
        %mul3A_198 = arith.muli %mul3A_197, %scan3A_196 : i32
        %add3A_199 = arith.constant 0 : i32
        %add3A_200 = arith.addi %mul3A_198, %add3A_199 : i32
        %get3A = arith.index_cast %add3A_200 : i32 to index
        %get3A_201 = arith.constant 0 : index
        %get3A_202 = tpu.vector_load %arg10[%get3A, %get3A_201] {strides = array<i32>} : memref<96x32xi32, #tpu.memory_space<vmem>>, vector<16xi32>,
        %shift_left3A = arith.constant 16 : i32
        %shift_left3A_203 = vector.broadcast %shift_left3A : i32 to vector<16xi32>
        %shift_left3A_204 = arith.shli %get3A_202, %shift_left3A_203 : vector<16xi32>
        %bitcast3A = vector.bitcast %shift_left3A_204 : vector<16xi32> to vector<16xf32>
        %swap3A = arith.index_cast %add3A_200 : i32 to index
        %swap3A_205 = arith.constant 0 : index
        %swap3A_206 = tpu.vector_load %arg12[%swap3A, %swap3A_205] {strides = array<i32>} : memref<96x64xf32, #tpu.memory_space<vmem>>, vector<16xf32>,
        tpu.vector_store %arg12[%swap3A, %swap3A_205], %bitcast3A {strides = array<i32>} : memref<96x64xf32, #tpu.memory_space<vmem>>, vector<16xf32>,
        %and3A = arith.constant -65536 : i32
        %and3A_207 = vector.broadcast %and3A : i32 to vector<16xi32>
        %and3A_208 = arith.andi %get3A_202, %and3A_207 : vector<16xi32>
        %bitcast3A_209 = vector.bitcast %and3A_208 : vector<16xi32> to vector<16xf32>
        %swap3A_210 = arith.index_cast %add3A_200 : i32 to index
        %swap3A_211 = arith.constant 16 : index
        %swap3A_212 = tpu.vector_load %arg12[%swap3A_210, %swap3A_211] {strides = array<i32>} : memref<96x64xf32, #tpu.memory_space<vmem>>, vector<16xf32>,
        tpu.vector_store %arg12[%swap3A_210, %swap3A_211], %bitcast3A_209 {strides = array<i32>} : memref<96x64xf32, #tpu.memory_space<vmem>>, vector<16xf32>,
        %get3A_213 = arith.index_cast %add3A_200 : i32 to index
        %get3A_214 = arith.constant 16 : index
        %get3A_215 = tpu.vector_load %arg10[%get3A_213, %get3A_214] {strides = array<i32>} : memref<96x32xi32, #tpu.memory_space<vmem>>, vector<16xi32>,
        %shift_left3A_216 = arith.constant 16 : i32
        %shift_left3A_217 = vector.broadcast %shift_left3A_216 : i32 to vector<16xi32>
        %shift_left3A_218 = arith.shli %get3A_215, %shift_left3A_217 : vector<16xi32>
        %bitcast3A_219 = vector.bitcast %shift_left3A_218 : vector<16xi32> to vector<16xf32>
        %swap3A_220 = arith.index_cast %add3A_200 : i32 to index
        %swap3A_221 = arith.constant 32 : index
        %swap3A_222 = tpu.vector_load %arg12[%swap3A_220, %swap3A_221] {strides = array<i32>} : memref<96x64xf32, #tpu.memory_space<vmem>>, vector<16xf32>,
        tpu.vector_store %arg12[%swap3A_220, %swap3A_221], %bitcast3A_219 {strides = array<i32>} : memref<96x64xf32, #tpu.memory_space<vmem>>, vector<16xf32>,
        %and3A_223 = arith.constant -65536 : i32
        %and3A_224 = vector.broadcast %and3A_223 : i32 to vector<16xi32>
        %and3A_225 = arith.andi %get3A_215, %and3A_224 : vector<16xi32>
        %bitcast3A_226 = vector.bitcast %and3A_225 : vector<16xi32> to vector<16xf32>
        %swap3A_227 = arith.index_cast %add3A_200 : i32 to index
        %swap3A_228 = arith.constant 48 : index
        %swap3A_229 = tpu.vector_load %arg12[%swap3A_227, %swap3A_228] {strides = array<i32>} : memref<96x64xf32, #tpu.memory_space<vmem>>, vector<16xf32>,
        tpu.vector_store %arg12[%swap3A_227, %swap3A_228], %bitcast3A_226 {strides = array<i32>} : memref<96x64xf32, #tpu.memory_space<vmem>>, vector<16xf32>,
        %mul3A_230 = arith.constant 4 : i32
        %mul3A_231 = arith.muli %mul3A_230, %scan3A_196 : i32
        %add3A_232 = arith.constant 1 : i32
        %add3A_233 = arith.addi %mul3A_231, %add3A_232 : i32
        %get3A_234 = arith.index_cast %add3A_233 : i32 to index
        %get3A_235 = arith.constant 0 : index
        %get3A_236 = tpu.vector_load %arg10[%get3A_234, %get3A_235] {strides = array<i32>} : memref<96x32xi32, #tpu.memory_space<vmem>>, vector<16xi32>,
        %shift_left3A_237 = arith.constant 16 : i32
        %shift_left3A_238 = vector.broadcast %shift_left3A_237 : i32 to vector<16xi32>
        %shift_left3A_239 = arith.shli %get3A_236, %shift_left3A_238 : vector<16xi32>
        %bitcast3A_240 = vector.bitcast %shift_left3A_239 : vector<16xi32> to vector<16xf32>
        %swap3A_241 = arith.index_cast %add3A_233 : i32 to index
        %swap3A_242 = arith.constant 0 : index
        %swap3A_243 = tpu.vector_load %arg12[%swap3A_241, %swap3A_242] {strides = array<i32>} : memref<96x64xf32, #tpu.memory_space<vmem>>, vector<16xf32>,
        tpu.vector_store %arg12[%swap3A_241, %swap3A_242], %bitcast3A_240 {strides = array<i32>} : memref<96x64xf32, #tpu.memory_space<vmem>>, vector<16xf32>,
        %and3A_244 = arith.constant -65536 : i32
        %and3A_245 = vector.broadcast %and3A_244 : i32 to vector<16xi32>
        %and3A_246 = arith.andi %get3A_236, %and3A_245 : vector<16xi32>
        %bitcast3A_247 = vector.bitcast %and3A_246 : vector<16xi32> to vector<16xf32>
        %swap3A_248 = arith.index_cast %add3A_233 : i32 to index
        %swap3A_249 = arith.constant 16 : index
        %swap3A_250 = tpu.vector_load %arg12[%swap3A_248, %swap3A_249] {strides = array<i32>} : memref<96x64xf32, #tpu.memory_space<vmem>>, vector<16xf32>,
        tpu.vector_store %arg12[%swap3A_248, %swap3A_249], %bitcast3A_247 {strides = array<i32>} : memref<96x64xf32, #tpu.memory_space<vmem>>, vector<16xf32>,
        %get3A_251 = arith.index_cast %add3A_233 : i32 to index
        %get3A_252 = arith.constant 16 : index
        %get3A_253 = tpu.vector_load %arg10[%get3A_251, %get3A_252] {strides = array<i32>} : memref<96x32xi32, #tpu.memory_space<vmem>>, vector<16xi32>,
        %shift_left3A_254 = arith.constant 16 : i32
        %shift_left3A_255 = vector.broadcast %shift_left3A_254 : i32 to vector<16xi32>
        %shift_left3A_256 = arith.shli %get3A_253, %shift_left3A_255 : vector<16xi32>
        %bitcast3A_257 = vector.bitcast %shift_left3A_256 : vector<16xi32> to vector<16xf32>
        %swap3A_258 = arith.index_cast %add3A_233 : i32 to index
        %swap3A_259 = arith.constant 32 : index
        %swap3A_260 = tpu.vector_load %arg12[%swap3A_258, %swap3A_259] {strides = array<i32>} : memref<96x64xf32, #tpu.memory_space<vmem>>, vector<16xf32>,
        tpu.vector_store %arg12[%swap3A_258, %swap3A_259], %bitcast3A_257 {strides = array<i32>} : memref<96x64xf32, #tpu.memory_space<vmem>>, vector<16xf32>,
        %and3A_261 = arith.constant -65536 : i32
        %and3A_262 = vector.broadcast %and3A_261 : i32 to vector<16xi32>
        %and3A_263 = arith.andi %get3A_253, %and3A_262 : vector<16xi32>
        %bitcast3A_264 = vector.bitcast %and3A_263 : vector<16xi32> to vector<16xf32>
        %swap3A_265 = arith.index_cast %add3A_233 : i32 to index
        %swap3A_266 = arith.constant 48 : index
        %swap3A_267 = tpu.vector_load %arg12[%swap3A_265, %swap3A_266] {strides = array<i32>} : memref<96x64xf32, #tpu.memory_space<vmem>>, vector<16xf32>,
        tpu.vector_store %arg12[%swap3A_265, %swap3A_266], %bitcast3A_264 {strides = array<i32>} : memref<96x64xf32, #tpu.memory_space<vmem>>, vector<16xf32>,
        %mul3A_268 = arith.constant 4 : i32
        %mul3A_269 = arith.muli %mul3A_268, %scan3A_196 : i32
        %add3A_270 = arith.constant 2 : i32
        %add3A_271 = arith.addi %mul3A_269, %add3A_270 : i32
        %get3A_272 = arith.index_cast %add3A_271 : i32 to index
        %get3A_273 = arith.constant 0 : index
        %get3A_274 = tpu.vector_load %arg10[%get3A_272, %get3A_273] {strides = array<i32>} : memref<96x32xi32, #tpu.memory_space<vmem>>, vector<16xi32>,
        %shift_left3A_275 = arith.constant 16 : i32
        %shift_left3A_276 = vector.broadcast %shift_left3A_275 : i32 to vector<16xi32>
        %shift_left3A_277 = arith.shli %get3A_274, %shift_left3A_276 : vector<16xi32>
        %bitcast3A_278 = vector.bitcast %shift_left3A_277 : vector<16xi32> to vector<16xf32>
        %swap3A_279 = arith.index_cast %add3A_271 : i32 to index
        %swap3A_280 = arith.constant 0 : index
        %swap3A_281 = tpu.vector_load %arg12[%swap3A_279, %swap3A_280] {strides = array<i32>} : memref<96x64xf32, #tpu.memory_space<vmem>>, vector<16xf32>,
        tpu.vector_store %arg12[%swap3A_279, %swap3A_280], %bitcast3A_278 {strides = array<i32>} : memref<96x64xf32, #tpu.memory_space<vmem>>, vector<16xf32>,
        %and3A_282 = arith.constant -65536 : i32
        %and3A_283 = vector.broadcast %and3A_282 : i32 to vector<16xi32>
        %and3A_284 = arith.andi %get3A_274, %and3A_283 : vector<16xi32>
        %bitcast3A_285 = vector.bitcast %and3A_284 : vector<16xi32> to vector<16xf32>
        %swap3A_286 = arith.index_cast %add3A_271 : i32 to index
        %swap3A_287 = arith.constant 16 : index
        %swap3A_288 = tpu.vector_load %arg12[%swap3A_286, %swap3A_287] {strides = array<i32>} : memref<96x64xf32, #tpu.memory_space<vmem>>, vector<16xf32>,
        tpu.vector_store %arg12[%swap3A_286, %swap3A_287], %bitcast3A_285 {strides = array<i32>} : memref<96x64xf32, #tpu.memory_space<vmem>>, vector<16xf32>,
        %get3A_289 = arith.index_cast %add3A_271 : i32 to index
        %get3A_290 = arith.constant 16 : index
        %get3A_291 = tpu.vector_load %arg10[%get3A_289, %get3A_290] {strides = array<i32>} : memref<96x32xi32, #tpu.memory_space<vmem>>, vector<16xi32>,
        %shift_left3A_292 = arith.constant 16 : i32
        %shift_left3A_293 = vector.broadcast %shift_left3A_292 : i32 to vector<16xi32>
        %shift_left3A_294 = arith.shli %get3A_291, %shift_left3A_293 : vector<16xi32>
        %bitcast3A_295 = vector.bitcast %shift_left3A_294 : vector<16xi32> to vector<16xf32>
        %swap3A_296 = arith.index_cast %add3A_271 : i32 to index
        %swap3A_297 = arith.constant 32 : index
        %swap3A_298 = tpu.vector_load %arg12[%swap3A_296, %swap3A_297] {strides = array<i32>} : memref<96x64xf32, #tpu.memory_space<vmem>>, vector<16xf32>,
        tpu.vector_store %arg12[%swap3A_296, %swap3A_297], %bitcast3A_295 {strides = array<i32>} : memref<96x64xf32, #tpu.memory_space<vmem>>, vector<16xf32>,
        %and3A_299 = arith.constant -65536 : i32
        %and3A_300 = vector.broadcast %and3A_299 : i32 to vector<16xi32>
        %and3A_301 = arith.andi %get3A_291, %and3A_300 : vector<16xi32>
        %bitcast3A_302 = vector.bitcast %and3A_301 : vector<16xi32> to vector<16xf32>
        %swap3A_303 = arith.index_cast %add3A_271 : i32 to index
        %swap3A_304 = arith.constant 48 : index
        %swap3A_305 = tpu.vector_load %arg12[%swap3A_303, %swap3A_304] {strides = array<i32>} : memref<96x64xf32, #tpu.memory_space<vmem>>, vector<16xf32>,
        tpu.vector_store %arg12[%swap3A_303, %swap3A_304], %bitcast3A_302 {strides = array<i32>} : memref<96x64xf32, #tpu.memory_space<vmem>>, vector<16xf32>,
        %mul3A_306 = arith.constant 4 : i32
        %mul3A_307 = arith.muli %mul3A_306, %scan3A_196 : i32
        %add3A_308 = arith.constant 3 : i32
        %add3A_309 = arith.addi %mul3A_307, %add3A_308 : i32
        %get3A_310 = arith.index_cast %add3A_309 : i32 to index
        %get3A_311 = arith.constant 0 : index
        %get3A_312 = tpu.vector_load %arg10[%get3A_310, %get3A_311] {strides = array<i32>} : memref<96x32xi32, #tpu.memory_space<vmem>>, vector<16xi32>,
        %shift_left3A_313 = arith.constant 16 : i32
        %shift_left3A_314 = vector.broadcast %shift_left3A_313 : i32 to vector<16xi32>
        %shift_left3A_315 = arith.shli %get3A_312, %shift_left3A_314 : vector<16xi32>
        %bitcast3A_316 = vector.bitcast %shift_left3A_315 : vector<16xi32> to vector<16xf32>
        %swap3A_317 = arith.index_cast %add3A_309 : i32 to index
        %swap3A_318 = arith.constant 0 : index
        %swap3A_319 = tpu.vector_load %arg12[%swap3A_317, %swap3A_318] {strides = array<i32>} : memref<96x64xf32, #tpu.memory_space<vmem>>, vector<16xf32>,
        tpu.vector_store %arg12[%swap3A_317, %swap3A_318], %bitcast3A_316 {strides = array<i32>} : memref<96x64xf32, #tpu.memory_space<vmem>>, vector<16xf32>,
        %and3A_320 = arith.constant -65536 : i32
        %and3A_321 = vector.broadcast %and3A_320 : i32 to vector<16xi32>
        %and3A_322 = arith.andi %get3A_312, %and3A_321 : vector<16xi32>
        %bitcast3A_323 = vector.bitcast %and3A_322 : vector<16xi32> to vector<16xf32>
        %swap3A_324 = arith.index_cast %add3A_309 : i32 to index
        %swap3A_325 = arith.constant 16 : index
        %swap3A_326 = tpu.vector_load %arg12[%swap3A_324, %swap3A_325] {strides = array<i32>} : memref<96x64xf32, #tpu.memory_space<vmem>>, vector<16xf32>,
        tpu.vector_store %arg12[%swap3A_324, %swap3A_325], %bitcast3A_323 {strides = array<i32>} : memref<96x64xf32, #tpu.memory_space<vmem>>, vector<16xf32>,
        %get3A_327 = arith.index_cast %add3A_309 : i32 to index
        %get3A_328 = arith.constant 16 : index
        %get3A_329 = tpu.vector_load %arg10[%get3A_327, %get3A_328] {strides = array<i32>} : memref<96x32xi32, #tpu.memory_space<vmem>>, vector<16xi32>,
        %shift_left3A_330 = arith.constant 16 : i32
        %shift_left3A_331 = vector.broadcast %shift_left3A_330 : i32 to vector<16xi32>
        %shift_left3A_332 = arith.shli %get3A_329, %shift_left3A_331 : vector<16xi32>
        %bitcast3A_333 = vector.bitcast %shift_left3A_332 : vector<16xi32> to vector<16xf32>
        %swap3A_334 = arith.index_cast %add3A_309 : i32 to index
        %swap3A_335 = arith.constant 32 : index
        %swap3A_336 = tpu.vector_load %arg12[%swap3A_334, %swap3A_335] {strides = array<i32>} : memref<96x64xf32, #tpu.memory_space<vmem>>, vector<16xf32>,
        tpu.vector_store %arg12[%swap3A_334, %swap3A_335], %bitcast3A_333 {strides = array<i32>} : memref<96x64xf32, #tpu.memory_space<vmem>>, vector<16xf32>,
        %and3A_337 = arith.constant -65536 : i32
        %and3A_338 = vector.broadcast %and3A_337 : i32 to vector<16xi32>
        %and3A_339 = arith.andi %get3A_329, %and3A_338 : vector<16xi32>
        %bitcast3A_340 = vector.bitcast %and3A_339 : vector<16xi32> to vector<16xf32>
        %swap3A_341 = arith.index_cast %add3A_309 : i32 to index
        %swap3A_342 = arith.constant 48 : index
        %swap3A_343 = tpu.vector_load %arg12[%swap3A_341, %swap3A_342] {strides = array<i32>} : memref<96x64xf32, #tpu.memory_space<vmem>>, vector<16xf32>,
        tpu.vector_store %arg12[%swap3A_341, %swap3A_342], %bitcast3A_340 {strides = array<i32>} : memref<96x64xf32, #tpu.memory_space<vmem>>, vector<16xf32>,
      }
      %scan3A_179 = arith.constant 24 : i32
      %add3A_180 = arith.constant 2 : i32
      %add3A_181 = arith.addi %mul3A_128, %add3A_180 : i32
      %add3A_182 = arith.constant 1 : i32
      %add3A_183 = arith.addi %add3A_181, %add3A_182 : i32
      %dma_start3A_184 = arith.constant 0 : i32
      %dma_start3A_185 = tpu.memref_slice %arg7[%add3A_183, %dma_start3A_184] : memref<108x96xi32, #tpu.memory_space<vmem>> -> memref<1x96xi32, #tpu.memory_space<vmem>>
      %dma_start3A_186 = tpu.memref_squeeze %dma_start3A_185 : memref<1x96xi32, #tpu.memory_space<vmem>> -> memref<96xi32, #tpu.memory_space<vmem>>
      %dma_start3A_187 = arith.constant 0 : i32
      %dma_start3A_188 = arith.constant 0 : i32
      %dma_start3A_189 = tpu.memref_slice %arg2[%scan3A_90, %dma_start3A_187, %dma_start3A_188] : memref<2x10000x32xi32, #tpu.memory_space<hbm>> -> memref<1x10000x32xi32, #tpu.memory_space<hbm>>
      %dma_start3A_190 = tpu.memref_squeeze %dma_start3A_189 : memref<1x10000x32xi32, #tpu.memory_space<hbm>> -> memref<10000x32xi32, #tpu.memory_space<hbm>>
      %dma_start3A_191 = arith.constant 0 : i32
      %dma_start3A_192 = arith.constant 0 : i32
      %dma_start3A_193 = tpu.memref_slice %dma_start3A_190[%dma_start3A_191, %dma_start3A_192] : memref<10000x32xi32, #tpu.memory_space<hbm>> -> memref<10000x32xi32, #tpu.memory_space<hbm>>
      tpu.enqueue_indirect_dma source(%dma_start3A_193 : memref<10000x32xi32, #tpu.memory_space<hbm>>) target(%arg10 : memref<96x32xi32, #tpu.memory_space<vmem>>) offsets(%dma_start3A_186 : memref<96xi32, #tpu.memory_space<vmem>>) semaphore(%arg15 : memref<!tpu.dma_semaphore, #tpu.memory_space<semaphore_mem>>)
      %add3A_194 = arith.constant 1 : i32
      %add3A_195 = arith.addi %mul3A_128, %add3A_194 : i32
      "tpu.region"() ({
        %run_scoped3A_196 = tpu.sem_alloc : memref<!tpu.dma_semaphore, #tpu.memory_space<semaphore_mem>>
        %dma_start3A_197 = arith.constant 0 : i32
        %dma_start3A_198 = tpu.memref_slice %arg8[%add3A_195, %dma_start3A_197] : memref<106x96xi32, #tpu.memory_space<vmem>> -> memref<1x96xi32, #tpu.memory_space<vmem>>
        %dma_start3A_199 = tpu.memref_squeeze %dma_start3A_198 : memref<1x96xi32, #tpu.memory_space<vmem>> -> memref<96xi32, #tpu.memory_space<vmem>>
        %dma_start3A_200 = arith.constant 0 : i32
        %dma_start3A_201 = arith.constant 0 : i32
        %dma_start3A_202 = tpu.memref_slice %arg13[%dma_start3A_200, %dma_start3A_201] : memref<10112x64xf32, #tpu.memory_space<vmem_shared>> -> memref<10112x64xf32, #tpu.memory_space<vmem_shared>>
        tpu.enqueue_indirect_dma source(%arg12 : memref<96x64xf32, #tpu.memory_space<vmem>>) target(%dma_start3A_202 : memref<10112x64xf32, #tpu.memory_space<vmem_shared>>) offsets(%dma_start3A_199 : memref<96xi32, #tpu.memory_space<vmem>>) semaphore(%run_scoped3A_196 : memref<!tpu.dma_semaphore, #tpu.memory_space<semaphore_mem>>) {add = true}
        %dma_wait3A_203 = arith.constant 0 : i32
        %dma_wait3A_204 = tpu.memref_slice %arg8[%add3A_195, %dma_wait3A_203] : memref<106x96xi32, #tpu.memory_space<vmem>> -> memref<1x96xi32, #tpu.memory_space<vmem>>
        %dma_wait3A_205 = tpu.memref_squeeze %dma_wait3A_204 : memref<1x96xi32, #tpu.memory_space<vmem>> -> memref<96xi32, #tpu.memory_space<vmem>>
        %dma_wait3A_206 = arith.constant 0 : i32
        %dma_wait3A_207 = arith.constant 0 : i32
        %dma_wait3A_208 = tpu.memref_slice %arg13[%dma_wait3A_206, %dma_wait3A_207] : memref<10112x64xf32, #tpu.memory_space<vmem_shared>> -> memref<10112x64xf32, #tpu.memory_space<vmem_shared>>
        tpu.wait_indirect_dma semaphore(%run_scoped3A_196 : memref<!tpu.dma_semaphore, #tpu.memory_space<semaphore_mem>>) src(%arg12 : memref<96x64xf32, #tpu.memory_space<vmem>>) dst(%dma_wait3A_208 : memref<10112x64xf32, #tpu.memory_space<vmem_shared>>)
        tpu.yield
      }) : () -> ()
    }
    %scan3A_95 = arith.constant 53 : i32
    %dma_wait3A_96 = arith.constant 1 : i32
    %dma_wait3A_97 = arith.constant 106 : i32
    %dma_wait3A_98 = arith.constant 0 : i32
    %dma_wait3A_99 = tpu.memref_slice %arg7[%dma_wait3A_97, %dma_wait3A_98] : memref<108x96xi32, #tpu.memory_space<vmem>> -> memref<1x96xi32, #tpu.memory_space<vmem>>
    %dma_wait3A_100 = tpu.memref_squeeze %dma_wait3A_99 : memref<1x96xi32, #tpu.memory_space<vmem>> -> memref<96xi32, #tpu.memory_space<vmem>>
    %dma_wait3A_101 = arith.constant 0 : i32
    %dma_wait3A_102 = arith.constant 0 : i32
    %dma_wait3A_103 = tpu.memref_slice %arg2[%dma_wait3A_96, %dma_wait3A_101, %dma_wait3A_102] : memref<2x10000x32xi32, #tpu.memory_space<hbm>> -> memref<1x10000x32xi32, #tpu.memory_space<hbm>>
    %dma_wait3A_104 = tpu.memref_squeeze %dma_wait3A_103 : memref<1x10000x32xi32, #tpu.memory_space<hbm>> -> memref<10000x32xi32, #tpu.memory_space<hbm>>
    %dma_wait3A_105 = arith.constant 0 : i32
    %dma_wait3A_106 = arith.constant 0 : i32
    %dma_wait3A_107 = tpu.memref_slice %dma_wait3A_104[%dma_wait3A_105, %dma_wait3A_106] : memref<10000x32xi32, #tpu.memory_space<hbm>> -> memref<10000x32xi32, #tpu.memory_space<hbm>>
    tpu.wait_indirect_dma semaphore(%arg14 : memref<!tpu.dma_semaphore, #tpu.memory_space<semaphore_mem>>) src(%dma_wait3A_107 : memref<10000x32xi32, #tpu.memory_space<hbm>>) dst(%arg9 : memref<96x32xi32, #tpu.memory_space<vmem>>)
    %dma_wait3A_108 = arith.constant 1 : i32
    %dma_wait3A_109 = arith.constant 107 : i32
    %dma_wait3A_110 = arith.constant 0 : i32
    %dma_wait3A_111 = tpu.memref_slice %arg7[%dma_wait3A_109, %dma_wait3A_110] : memref<108x96xi32, #tpu.memory_space<vmem>> -> memref<1x96xi32, #tpu.memory_space<vmem>>
    %dma_wait3A_112 = tpu.memref_squeeze %dma_wait3A_111 : memref<1x96xi32, #tpu.memory_space<vmem>> -> memref<96xi32, #tpu.memory_space<vmem>>
    %dma_wait3A_113 = arith.constant 0 : i32
    %dma_wait3A_114 = arith.constant 0 : i32
    %dma_wait3A_115 = tpu.memref_slice %arg2[%dma_wait3A_108, %dma_wait3A_113, %dma_wait3A_114] : memref<2x10000x32xi32, #tpu.memory_space<hbm>> -> memref<1x10000x32xi32, #tpu.memory_space<hbm>>
    %dma_wait3A_116 = tpu.memref_squeeze %dma_wait3A_115 : memref<1x10000x32xi32, #tpu.memory_space<hbm>> -> memref<10000x32xi32, #tpu.memory_space<hbm>>
    %dma_wait3A_117 = arith.constant 0 : i32
    %dma_wait3A_118 = arith.constant 0 : i32
    %dma_wait3A_119 = tpu.memref_slice %dma_wait3A_116[%dma_wait3A_117, %dma_wait3A_118] : memref<10000x32xi32, #tpu.memory_space<hbm>> -> memref<10000x32xi32, #tpu.memory_space<hbm>>
    tpu.wait_indirect_dma semaphore(%arg15 : memref<!tpu.dma_semaphore, #tpu.memory_space<semaphore_mem>>) src(%dma_wait3A_119 : memref<10000x32xi32, #tpu.memory_space<hbm>>) dst(%arg10 : memref<96x32xi32, #tpu.memory_space<vmem>>)
    %barrier3A_120 = arith.constant 0 : index
    tpu.barrier barrier_id(%barrier3A_120)
    %mul3A_121 = arith.constant 632 : i32
    %mul3A_122 = arith.muli %arg1, %mul3A_121 : i32
    %mul3A_123 = arith.constant 632 : i32
    %mul3A_124 = arith.muli %arg1, %mul3A_123 : i32
    %run_scoped3A_125 = arith.constant 1 : i32
    "tpu.region"() ({
      %run_scoped3A_126 = tpu.sem_alloc : memref<!tpu.dma_semaphore, #tpu.memory_space<semaphore_mem>>
      %dma_start3A_127 = arith.constant 0 : i32
      %dma_start3A_128 = tpu.memref_slice %arg6[%run_scoped3A_125, %arg0, %mul3A_124, %dma_start3A_127] : memref<2x2x10112x64xf32, #tpu.memory_space<hbm>> -> memref<1x1x632x64xf32, #tpu.memory_space<hbm>>
      %dma_start3A_129 = tpu.memref_squeeze %dma_start3A_128 : memref<1x1x632x64xf32, #tpu.memory_space<hbm>> -> memref<632x64xf32, #tpu.memory_space<hbm>>
      %dma_start3A_130 = arith.constant 0 : i32
      %dma_start3A_131 = tpu.memref_slice %arg13[%mul3A_122, %dma_start3A_130] : memref<10112x64xf32, #tpu.memory_space<vmem_shared>> -> memref<632x64xf32, #tpu.memory_space<vmem_shared>>
      tpu.enqueue_dma source(%dma_start3A_131 : memref<632x64xf32, #tpu.memory_space<vmem_shared>>) target(%dma_start3A_129 : memref<632x64xf32, #tpu.memory_space<hbm>>) target_semaphore(%run_scoped3A_126 : memref<!tpu.dma_semaphore, #tpu.memory_space<semaphore_mem>>)
      %dma_wait3A_132 = arith.constant 0 : i32
      %dma_wait3A_133 = tpu.memref_slice %arg6[%run_scoped3A_125, %arg0, %mul3A_124, %dma_wait3A_132] : memref<2x2x10112x64xf32, #tpu.memory_space<hbm>> -> memref<1x1x632x64xf32, #tpu.memory_space<hbm>>
      %dma_wait3A_134 = tpu.memref_squeeze %dma_wait3A_133 : memref<1x1x632x64xf32, #tpu.memory_space<hbm>> -> memref<632x64xf32, #tpu.memory_space<hbm>>
      %dma_wait3A_135 = arith.constant 0 : i32
      %dma_wait3A_136 = tpu.memref_slice %arg13[%mul3A_122, %dma_wait3A_135] : memref<10112x64xf32, #tpu.memory_space<vmem_shared>> -> memref<632x64xf32, #tpu.memory_space<vmem_shared>>
      tpu.wait_dma2 semaphore(%run_scoped3A_126 : memref<!tpu.dma_semaphore, #tpu.memory_space<semaphore_mem>>) src(%dma_wait3A_136 : memref<632x64xf32, #tpu.memory_space<vmem_shared>>) dst(%dma_wait3A_134 : memref<632x64xf32, #tpu.memory_space<hbm>>)
      tpu.yield
    }) : () -> ()
    return
  }
}

module attributes {stable_mosaic.version = 14 : i64} {
  func.func @_scale_body(%arg0: memref<10000x128xf32, #tpu.memory_space<vmem>>, %arg1: memref<10000x1xf32, #tpu.memory_space<vmem>>, %arg2: memref<2x10000x64xf32, #tpu.memory_space<vmem>>) attributes {dimension_semantics = [], scalar_prefetch = 0 : i64, scratch_operands = 0 : i64, tpu.core_type = #tpu.core_type<tc>} {
    %get3A = arith.constant 0 : index
    %get3A_0 = arith.constant 0 : index
    %get3A_1 = vector.load %arg0[%get3A, %get3A_0] : memref<10000x128xf32, #tpu.memory_space<vmem>>, vector<10000x64xf32>
    %get3A_2 = arith.constant 0 : index
    %get3A_3 = arith.constant 0 : index
    %get3A_4 = vector.load %arg1[%get3A_2, %get3A_3] : memref<10000x1xf32, #tpu.memory_space<vmem>>, vector<10000x1xf32>
    %mul3A = vector.broadcast %get3A_4 : vector<10000x1xf32> to vector<10000x64xf32>
    %mul3A_5 = arith.mulf %get3A_1, %mul3A : vector<10000x64xf32>
    %swap3A = arith.constant 0 : index
    %swap3A_6 = arith.constant 0 : index
    %swap3A_7 = arith.constant 0 : index
    %swap3A_8 = vector.load %arg2[%swap3A, %swap3A_6, %swap3A_7] : memref<2x10000x64xf32, #tpu.memory_space<vmem>>, vector<1x10000x64xf32>
    %swap3A_9 = vector.shape_cast %swap3A_8 : vector<1x10000x64xf32> to vector<10000x64xf32>
    %swap3A_10 = vector.shape_cast %mul3A_5 : vector<10000x64xf32> to vector<1x10000x64xf32>
    tpu.vector_store %arg2[%swap3A, %swap3A_6, %swap3A_7], %swap3A_10 {strides = array<i32>} : memref<2x10000x64xf32, #tpu.memory_space<vmem>>, vector<1x10000x64xf32>,
    %get3A_11 = arith.constant 0 : index
    %get3A_12 = arith.constant 64 : index
    %get3A_13 = vector.load %arg0[%get3A_11, %get3A_12] : memref<10000x128xf32, #tpu.memory_space<vmem>>, vector<10000x64xf32>
    %get3A_14 = arith.constant 0 : index
    %get3A_15 = arith.constant 0 : index
    %get3A_16 = vector.load %arg1[%get3A_14, %get3A_15] : memref<10000x1xf32, #tpu.memory_space<vmem>>, vector<10000x1xf32>
    %mul3A_17 = vector.broadcast %get3A_16 : vector<10000x1xf32> to vector<10000x64xf32>
    %mul3A_18 = arith.mulf %get3A_13, %mul3A_17 : vector<10000x64xf32>
    %swap3A_19 = arith.constant 1 : index
    %swap3A_20 = arith.constant 0 : index
    %swap3A_21 = arith.constant 0 : index
    %swap3A_22 = vector.load %arg2[%swap3A_19, %swap3A_20, %swap3A_21] : memref<2x10000x64xf32, #tpu.memory_space<vmem>>, vector<1x10000x64xf32>
    %swap3A_23 = vector.shape_cast %swap3A_22 : vector<1x10000x64xf32> to vector<10000x64xf32>
    %swap3A_24 = vector.shape_cast %mul3A_18 : vector<10000x64xf32> to vector<1x10000x64xf32>
    tpu.vector_store %arg2[%swap3A_19, %swap3A_20, %swap3A_21], %swap3A_24 {strides = array<i32>} : memref<2x10000x64xf32, #tpu.memory_space<vmem>>, vector<1x10000x64xf32>,
    return
  }
}

module attributes {stable_mosaic.version = 14 : i64} {
  func.func @_combine_body(%arg0: memref<2x2x10000x64xf32, #tpu.memory_space<vmem>>, %arg1: memref<10000x1xf32, #tpu.memory_space<vmem>>, %arg2: memref<10000x128xf32, #tpu.memory_space<vmem>>) attributes {dimension_semantics = [], scalar_prefetch = 0 : i64, scratch_operands = 0 : i64, tpu.core_type = #tpu.core_type<tc>} {
    %get3A = arith.constant 0 : index
    %get3A_0 = arith.constant 0 : index
    %get3A_1 = arith.constant 0 : index
    %get3A_2 = arith.constant 0 : index
    %get3A_3 = vector.load %arg0[%get3A, %get3A_0, %get3A_1, %get3A_2] : memref<2x2x10000x64xf32, #tpu.memory_space<vmem>>, vector<1x1x10000x64xf32>
    %get3A_4 = vector.shape_cast %get3A_3 : vector<1x1x10000x64xf32> to vector<10000x64xf32>
    %get3A_5 = arith.constant 0 : index
    %get3A_6 = arith.constant 1 : index
    %get3A_7 = arith.constant 0 : index
    %get3A_8 = arith.constant 0 : index
    %get3A_9 = vector.load %arg0[%get3A_5, %get3A_6, %get3A_7, %get3A_8] : memref<2x2x10000x64xf32, #tpu.memory_space<vmem>>, vector<1x1x10000x64xf32>
    %get3A_10 = vector.shape_cast %get3A_9 : vector<1x1x10000x64xf32> to vector<10000x64xf32>
    %add3A = arith.addf %get3A_4, %get3A_10 : vector<10000x64xf32>
    %get3A_11 = arith.constant 0 : index
    %get3A_12 = arith.constant 0 : index
    %get3A_13 = vector.load %arg1[%get3A_11, %get3A_12] : memref<10000x1xf32, #tpu.memory_space<vmem>>, vector<10000x1xf32>
    %mul3A = vector.broadcast %get3A_13 : vector<10000x1xf32> to vector<10000x64xf32>
    %mul3A_14 = arith.mulf %add3A, %mul3A : vector<10000x64xf32>
    %swap3A = arith.constant 0 : index
    %swap3A_15 = arith.constant 0 : index
    %swap3A_16 = vector.load %arg2[%swap3A, %swap3A_15] : memref<10000x128xf32, #tpu.memory_space<vmem>>, vector<10000x64xf32>
    tpu.vector_store %arg2[%swap3A, %swap3A_15], %mul3A_14 {strides = array<i32>} : memref<10000x128xf32, #tpu.memory_space<vmem>>, vector<10000x64xf32>,
    %get3A_17 = arith.constant 1 : index
    %get3A_18 = arith.constant 0 : index
    %get3A_19 = arith.constant 0 : index
    %get3A_20 = arith.constant 0 : index
    %get3A_21 = vector.load %arg0[%get3A_17, %get3A_18, %get3A_19, %get3A_20] : memref<2x2x10000x64xf32, #tpu.memory_space<vmem>>, vector<1x1x10000x64xf32>
    %get3A_22 = vector.shape_cast %get3A_21 : vector<1x1x10000x64xf32> to vector<10000x64xf32>
    %get3A_23 = arith.constant 1 : index
    %get3A_24 = arith.constant 1 : index
    %get3A_25 = arith.constant 0 : index
    %get3A_26 = arith.constant 0 : index
    %get3A_27 = vector.load %arg0[%get3A_23, %get3A_24, %get3A_25, %get3A_26] : memref<2x2x10000x64xf32, #tpu.memory_space<vmem>>, vector<1x1x10000x64xf32>
    %get3A_28 = vector.shape_cast %get3A_27 : vector<1x1x10000x64xf32> to vector<10000x64xf32>
    %add3A_29 = arith.addf %get3A_22, %get3A_28 : vector<10000x64xf32>
    %get3A_30 = arith.constant 0 : index
    %get3A_31 = arith.constant 0 : index
    %get3A_32 = vector.load %arg1[%get3A_30, %get3A_31] : memref<10000x1xf32, #tpu.memory_space<vmem>>, vector<10000x1xf32>
    %mul3A_33 = vector.broadcast %get3A_32 : vector<10000x1xf32> to vector<10000x64xf32>
    %mul3A_34 = arith.mulf %add3A_29, %mul3A_33 : vector<10000x64xf32>
    %swap3A_35 = arith.constant 0 : index
    %swap3A_36 = arith.constant 64 : index
    %swap3A_37 = vector.load %arg2[%swap3A_35, %swap3A_36] : memref<10000x128xf32, #tpu.memory_space<vmem>>, vector<10000x64xf32>
    tpu.vector_store %arg2[%swap3A_35, %swap3A_36], %mul3A_34 {strides = array<i32>} : memref<10000x128xf32, #tpu.memory_space<vmem>>, vector<10000x64xf32>,
    return
  }
}

</mosaic_0001>

<sc_bundles>
// kernel: kernel.5.cloned.1.call-start
scs
__scs_entry_jumppad:
0x0: {  	(pc) =	sbr.rel $0x88, $3  }
0x1: {  	(tag) =	ssettag $0x0;
	lr =	simm.s32 $0x1  }
0x2: {  	[smem:$0x3F9D] =	sst lr;
	_ =	strace $0xD0000000  }
0x3: {  	_ = 	snop  }
0x4: {  	_ = 	snop  }
0x5: {  	_ = 	snop  }
0x6: {  	_ = 	snop  }
0x7: {  	_ = 	snop  }
__scs_overlays_trampoline_lowered:
0x8: {  	[smem:$0x3FAC] =	sst s0  }
0x9: {  	[smem:$0x3FAD] =	sst s1  }
0xa: {  	[smem:$0x3FAE] =	sst s2  }
0xb: {  	[smem:$0x3FAF] =	sst s3  }
0xc: {  	[smem:$0x3FB0] =	sst s4  }
0xd: {  	[smem:$0x3FB1] =	sst s5  }
0xe: {  	[smem:$0x3FB2] =	sst s6  }
0xf: {  	[smem:$0x3FB3] =	sst s7  }
0x10: {  	[smem:$0x3FB4] =	sst s8  }
0x11: {  	[smem:$0x3FB5] =	sst s9;
	s0 =	simm.s32 @!p0 $0x0  }
0x12: {  	s1 =	sld [smem:$0x3F9B];
	s0 =	simm.s32 @p0 $0x1  }
0x13: {  	[smem:$0x3FB6] =	sst s0;
	s0 =	simm.s32 @!p1 $0x0  }
0x14: {  	s2 =	sld [smem:$0x3F9A];
	s0 =	simm.s32 @p1 $0x1  }
0x15: {  	[smem:$0x3FB7] =	sst s0;
	s0 =	simm.s32 @!p2 $0x0  }
0x16: {  	s3 =	sld [smem:$0x3FDB];
	s0 =	simm.s32 @p2 $0x1  }
0x17: {  	s4 =	simm.s32 $0x1BF5;
	[smem:$0x3FB9] =	sst s0  }
0x18: {  	s0 =	sld [smem:$0x3F9C];
	_ =	swait.ge [sflag:s4], $0x0  }
0x19: {  	s7 =	sld [smem:$0x3F9D]  }
0x1a: {  	s8 =	sadd.s32 $0xFFFFE003, lr  }
0x1b: {  	s9 =	sadd.s32 $0xFFFFFEF7, lr;
	s5 =	simm.s32 $0xFFFFFFFF;
	p2 =	slt.u32 s8, $0xFFFFF086  }
0x1c: {  	p1 =	slt.u32 s9, $0xF7A;
	s5 =	simm.s32 @!p2 $0x0  }
0x1d: {  	s5 =	simm.s32 @p1 $0x1;
	p0 =	seq.s32 s7, s2  }
0x1e: {  	s7 =	smul.u32 @!p0 $0xF7A, s2;
	p2 =	seq.s32 @!p0 s5, $0x0  }
0x1f: {  	s9 =	smul.u32 $0xF7A, s1;
	s8 =	simm.s32 @!p0 $0x1BF5;
	p2 =	por !p2, p0  }
0x20: {  	[sflag:s8] =	ssyncset.s32 @!p0 $0xFFFFF086;
	s6 =	sadd.s32 @!p0 s3, s7;
	s7 =	simm.s32 @!p0 $0x108  }
0x21: {  	s3 =	sadd.s32 s3, s9;
	s6 =	sadd.s32 @!p0 $0x88, s6;
	s7 =	simm.s32 @p2 $0x1082  }
0x22: {  	[simem:s7], [sflag:s8] =	dma.local @!p0 [hbm:s6], $0xF7A  }
0x23: {  	s9 =	sor.u32 $0xD0000000, s2;
	s6 =	simm.s32 $0x108;
	_ =	swait.ge @!p0 [sflag:s8], $0x0  }
0x24: {  	s3 =	sadd.s32 $0x88, s3;
	s6 =	simm.s32 @!p1 $0x1082;
	[sflag:s4] =	ssyncset.s32 $0xFFFFF086  }
0x25: {  	[simem:s6], [sflag:s4] =	dma.local [hbm:s3], $0xF7A  }
0x26: {  	[smem:$0x3F9D] =	sst s1;
	(tag) =	ssettag s2;
	_ =	strace s9  }
0x27: {  	s1 =	sld [smem:$0x3FAD]  }
0x28: {  	s2 =	sld [smem:$0x3FAE]  }
0x29: {  	s4 =	sld [smem:$0x3FB0]  }
0x2a: {  	p0 =	seq.s32 s5, $0x0;
	s5 =	sld [smem:$0x3FB1]  }
0x2b: {  	s6 =	sld [smem:$0x3FB2]  }
0x2c: {  	s7 =	sld [smem:$0x3FB3]  }
0x2d: {  	s3 =	simm.s32 $0x108;
	s8 =	sld [smem:$0x3FB4]  }
0x2e: {  	s3 =	simm.s32 @!p0 $0x1082;
	s9 =	sld [smem:$0x3FB5]  }
0x2f: {  	lr =	sadd.s32 s0, s3;
	s0 =	sld [smem:$0x3FAC]  }
0x30: {  	s3 =	sld [smem:$0x3FAF]  }
0x31: {  	[smem:$0x3FB8] =	sst s10  }
0x32: {  	s10 =	sld [smem:$0x3FB6];
	_ =	sdelay $0x3  }
0x33: {  	p0 =	seq.s32 s10, $0x1;
	s10 =	sld [smem:$0x3FB8];
	_ =	sdelay $0x3  }
0x34: {  	[smem:$0x3FB8] =	sst s10  }
0x35: {  	s10 =	sld [smem:$0x3FB7];
	_ =	sdelay $0x3  }
0x36: {  	p1 =	seq.s32 s10, $0x1;
	s10 =	sld [smem:$0x3FB8];
	_ =	sdelay $0x3  }
0x37: {  	[smem:$0x3FB8] =	sst s10  }
0x38: {  	s10 =	sld [smem:$0x3FB9]  }
0x39: {  	_ = 	snop;
	(pc) =	sbr.ind lr, $3  }
0x3a: {  	_ = 	snop  }
0x3b: {  	_ = 	snop  }
0x3c: {  	p2 =	seq.s32 s10, $0x1;
	s10 =	sld [smem:$0x3FB8]  }
0x3d: {  	_ =	shalt  }
0x3e: {  	_ =	shalt  }
0x3f: {  	_ =	shalt  }
0x40: {  	_ =	shalt  }
0x41: {  	_ =	shalt  }
0x42: {  	_ =	shalt  }
0x43: {  	_ =	shalt  }
0x44: {  	_ =	shalt  }
0x45: {  	_ =	shalt  }
0x46: {  	_ =	shalt  }
0x47: {  	_ =	shalt  }
0x48: {  	_ =	shalt  }
0x49: {  	_ =	shalt  }
0x4a: {  	_ =	shalt  }
0x4b: {  	_ =	shalt  }
0x4c: {  	_ =	shalt  }
0x4d: {  	_ =	shalt  }
0x4e: {  	_ =	shalt  }
0x4f: {  	_ =	shalt  }
0x50: {  	_ =	shalt  }
0x51: {  	_ =	shalt  }
0x52: {  	_ =	shalt  }
0x53: {  	_ =	shalt  }
0x54: {  	_ =	shalt  }
0x55: {  	_ =	shalt  }
0x56: {  	_ =	shalt  }
0x57: {  	_ =	shalt  }
0x58: {  	_ =	shalt  }
0x59: {  	_ =	shalt  }
0x5a: {  	_ =	shalt  }
0x5b: {  	_ =	shalt  }
0x5c: {  	_ =	shalt  }
0x5d: {  	_ =	shalt  }
0x5e: {  	_ =	shalt  }
0x5f: {  	_ =	shalt  }
0x60: {  	_ =	shalt  }
0x61: {  	_ =	shalt  }
0x62: {  	_ =	shalt  }
0x63: {  	_ =	shalt  }
0x64: {  	_ =	shalt  }
0x65: {  	_ =	shalt  }
0x66: {  	_ =	shalt  }
0x67: {  	_ =	shalt  }
0x68: {  	_ =	shalt  }
0x69: {  	_ =	shalt  }
0x6a: {  	_ =	shalt  }
0x6b: {  	_ =	shalt  }
0x6c: {  	_ =	shalt  }
0x6d: {  	_ =	shalt  }
0x6e: {  	_ =	shalt  }
0x6f: {  	_ =	shalt  }
0x70: {  	_ =	shalt  }
0x71: {  	_ =	shalt  }
0x72: {  	_ =	shalt  }
0x73: {  	_ =	shalt  }
0x74: {  	_ =	shalt  }
0x75: {  	_ =	shalt  }
0x76: {  	_ =	shalt  }
0x77: {  	_ =	shalt  }
0x78: {  	_ =	shalt  }
0x79: {  	_ =	shalt  }
0x7a: {  	_ =	shalt  }
0x7b: {  	_ =	shalt  }
0x7c: {  	_ =	shalt  }
0x7d: {  	_ =	shalt  }
0x7e: {  	_ =	shalt  }
0x7f: {  	_ =	shalt  }
0x80: {  	_ =	shalt  }
0x81: {  	_ =	shalt  }
0x82: {  	_ =	shalt  }
0x83: {  	_ =	shalt  }
0x84: {  	_ =	shalt  }
0x85: {  	_ =	shalt  }
0x86: {  	_ =	shalt  }
0x87: {  	_ =	shalt  }
.Lfunc_end0:
.L_simem_size_0:
called_computation_lowered:
.L_overlay_start_0:
0x88: {  	s2 =	sld [smem:$0x3FD9]  }
0x89: {  	s3 =	sld [smem:$0x3FFE];
	_ =	sdelay $0x1  }
0x8a: {  	s1 =	srdreg.scid  }
0x8b: {  	s0 =	sand.u32 $0x1, s1  }
0x8c: {  	s17 =	sshll.u32 s0, $0xA;
	s2 =	sadd.s32 s3, s2  }
0x8d: {  	s2 =	sadd.s32 s2, s17  }
0x8e: {  	[smem:$0x3FC4] =	sst s2  }
0x8f: {  	_ = 	snop  }
0x90: {  	s2 =	sld [smem:$0x3FD0];
	(tm) =	ssettm $0x1  }
0x91: {  	s18 =	sld [smem:$0x3FFB];
	_ =	sdelay $0x3  }
0x92: {  	_ =	strace s18  }
0x93: {  	s3 =	sld [smem:$0x3FFC];
	_ =	sdelay $0x3  }
0x94: {  	_ =	strace s3  }
0x95: {  	s3 =	sld [smem:$0x3FFD];
	_ =	sdelay $0x3  }
0x96: {  	_ =	strace s3  }
0x97: {  	_ =	strace $0x8FFFFFFF  }
0x98: {  	s19 =	sld [smem:$0x3FDB];
	_ =	sdelay $0x1  }
0x99: {  	s4 =	simm.s32 $_scs_section_size  }
0x9a: {  	s5 =	simm.s32 $_size__tile_overlayer_lowered;
	s6 =	simm.s32 $_tile_overlayer_lowered  }
0x9b: {  	s22 =	simm.s32 $0x1BFF;
	s21 =	sshll.u32 s6, $0x1;
	s3 =	sadd.s32 s4, s19  }
0x9c: {  	s7 =	simm.s32 $0x0;
	s20 =	sshll.u32 s5, $0x1;
	s5 =	sadd.s32 s21, s3  }
0x9d: {  	[timem:s7], [sflag:s22] =	dma.local [hbm:s5], s20  }
0x9e: {  	_ =	swait.ge [sflag:s22], s20  }
0x9f: {  	s4 =	ssub.s32 $0x0, s20;
	[sflag:s22] =	ssyncset.done $0x0  }
0xa0: {  	[sflag:s22] =	ssyncadd.s32 s4;
	_ =	sdelay $0x1  }
0xa1: {  	s23 =	simm.s32 $0x1B8B  }
0xa2: {  	_ =	swait.ge [sflag:s23], $0x1  }
0xa3: {  	[sflag:s23] =	ssyncset.done $0x0  }
0xa4: {  	s25 =	simm.s32 $0x1B8E;
	s24 =	sld [smem:$0x3FFE];
	[sflag:s23] =	ssyncadd.s32 $0xFFFFFFFF  }
0xa5: {  	s26 =	simm.s32 $execute0_lowered;
	[smem:$0x3FD2] =	sst s25  }
0xa6: {  	s5 =	sshll.u32 s26, $0x1;
	_ =	strace $0x80000046;
	[dreg:$0x1] =	wrdreg $0xFFFFFFFF  }
0xa7: {  	s28 =	simm.s32 $_size_execute0_lowered;
	s3 =	sadd.s32 s3, s5;
	[dreg:$0x0] =	wrdreg $0x0  }
0xa8: {  	s5 =	sshll.u32 s28, $0x1;
	[dreg:$0x2] =	wrdreg s3  }
0xa9: {  	[dreg:$0x3] =	wrdreg s5  }
0xaa: {  	[dreg:$0x4] =	wrdreg $0xC0  }
0xab: {  	_ =	task [dreg:s7], $0x5FFFF  }
0xac: {  	[dreg:$0x1] =	wrdreg $0xFFFFFFFF  }
0xad: {  	[dreg:$0x0] =	wrdreg $0x60  }
0xae: {  	[dreg:$0x2] =	wrdreg s24  }
0xaf: {  	[dreg:$0x3] =	wrdreg s2  }
0xb0: {  	[dreg:$0x4] =	wrdreg $0x98400  }
0xb1: {  	[dreg:$0x5] =	wrdreg $0x9  }
0xb2: {  	_ =	task.clear_ibuf [dreg:s7], $0x6FFFF;
	_ =	strace $0x90000046  }
0xb3: {  	s29 =	simm.s32 $0x9;
	_ =	strace $0x80000048  }
0xb4: {  	_ =	swait.ge [sflag:s29], $0x1  }
0xb5: {  	[sflag:s29] =	ssyncadd.s32 $0xFFFFFFFF  }
0xb6: {  	_ =	strace $0x90000048  }
0xb7: {  	_ =	sfence  }
0xb8: {  	s30 =	sld [smem:$0x0];
	_ =	sdelay $0x2  }
0xb9: {  	s31 =	sshll.u32 s1, $0xD;
	s1 =	sshrl.u32 s1, $0x2  }
0xba: {  	s3 =	sand.u32 $0x4000, s31;
	s1 =	sadd.s32 s1, s30  }
0xbb: {  	s0 =	sor.u32 s3, s0;
	s1 =	sshll.u32 s1, $0x11  }
0xbc: {  	s0 =	sor.u32 s1, s0  }
0xbd: {  	s0 =	sadd.s32 $0x8F2B, s0  }
0xbe: {  	[sflag:s0] =	ssyncadd.remote.s32 $0x1  }
0xbf: {  	_ =	sfence.sel $0xFFFF  }
0xc0: {  	[dreg:$0x0] =	wrdreg $0xFFFFFFFF;
	(pc) =	sbr.abs _section_cstart, $3  }
0xc1: {  	[dreg:$0x1] =	wrdreg $0xFFFFFFFF  }
0xc2: {  	_ =	task.clear_ibuf [dreg:s7], $0x2FFFF;
	_ =	strace $0x9FFFFFFF  }
0xc3: {  	(tm) =	ssettm $0x7FFFFFFF  }
tec
execute0_lowered:
.L_overlay_start_1:
0x0: {  	(tag) =	ssettag $0x1  }
0x1: {  	s9 =	rddreg [dreg:$0x0]  }
0x2: {  	s7 =	rddreg [dreg:$0x1]  }
0x3: {  	s2 =	rddreg [dreg:$0x2]  }
0x4: {  	s0 =	srdreg.scid;
	s1 =	rddreg [dreg:$0x3];
	s3 =	simm.s32 $0x0  }
0x5: {  	s13 =	simm.s32 $0x2880;
	s16 =	simm.s32 $0x60;
	s5 =	sand.u32 $0x1, s0  }
0x6: {  	s17 =	simm.s32 $0x5040;
	s0 =	stileid.u32;
	s4 =	smul.u32 $0x28800, s5  }
0x7: {  	s18 =	simm.s32 $0x5C40;
	s19 =	simm.s32 $0x1;
	s6 =	smul.u32 $0x2880, s0  }
0x8: {  	s20 =	simm.s32 $0x6840;
	s21 =	simm.s32 $0x2;
	s8 =	smul.u32 $0x27C00, s5  }
0x9: {  	s22 =	simm.s32 $0x8040;
	[smem:$0x7FF] =	sst s3;
	s10 =	smul.u32 $0x27C0, s0  }
0xa: {  	s23 =	simm.s32 $0x0;
	s11 =	smul.u32 $0x9E00, s0;
	_ =	strace $0x80000047  }
0xb: {  	s12 =	smul.u32 $0x9E000, s5;
	s5 =	ssub.s32 $0x2, s5;
	s14 =	sshll.u32 s0, $0x6  }
0xc: {  	s30 =	sshrl.u32 s5, $0x1;
	s14 =	sor.u32 $0x1C03, s14;
	s4 =	sadd.s32 s6, s4  }
0xd: {  	s8 =	sadd.s32 s10, s8;
	s29 =	sadd.s32 s11, s12;
	s12 =	ssub.s32 s5, s30  }
0xe: {  	s15 =	sadd.s32 s11, s2;
	s31 =	sshrl.u32 s11, $0x3;
	s6 =	sshrl.u32 s4, $0x3  }
0xf: {  	s4 =	sadd.s32 $0xA400, s9;
	s8 =	sshrl.u32 s8, $0x3;
	s10 =	sshrl.u32 s29, $0x3  }
0x10: {  	s7 =	sadd.s32 s7, s31;
	s11 =	smax.u32 s12, $0x1;
	s12 =	simm.s32 $0x3  }
0x11: {  	s15 =	sshrl.u32 s15, $0x3;
	s6 =	sadd.s32 s6, s9;
	s8 =	sadd.s32 s8, s9  }
0x12: {  	s10 =	sadd.s32 s10, s9;
	s9 =	sadd.s32 $0x14040, s9;
	s5 =	sadd.s32 $0x200, s6  }
0x13: {  	s6 =	sadd.s32 $0x1DE00, s8;
	s8 =	sadd.s32 $0x27E00, s10;
	s10 =	sadd.s32 $0x4F600, s10  }
.LBB2_1:
0x14: {  	[tilespmem:s3], [sflag:$0x3] =	stream.linear.gather [hbm4b:s5+s3], $0x2880, $0x38;
	[tilespmem:$0x13640] =	vst v63  }
0x15: {  	_ =	swait.ge [sflag:s12], $0x2880  }
0x16: {  	[sflag:s12] =	ssyncset.done $0x0  }
0x17: {  	[sflag:s12] =	ssyncadd.s32 $0xFFFFD780  }
0x18: {  	[tilespmem:s13], [sflag:$0x3] =	stream.linear.gather [hbm4b:s6+s3], $0x27C0, $0x38;
	[tilespmem:$0x13640] =	vst v63  }
0x19: {  	_ =	swait.ge [sflag:s12], $0x27C0  }
0x1a: {  	[sflag:s12] =	ssyncset.done $0x0  }
0x1b: {  	[sflag:s12] =	ssyncadd.s32 $0xFFFFD840  }
0x1c: {  	[spmem:s15], [sflag:s14] =	dma.local [hbm:s7], $0x13C0  }
0x1d: {  	_ =	swait.ge [sflag:s12], $0x13C0  }
0x1e: {  	[sflag:s12] =	ssyncset.done $0x0  }
0x1f: {  	[sflag:s12] =	ssyncadd.s32 $0xFFFFEC40  }
0x20: {  	[bflag:$0x0] =	sbarrier.arrive $0xFFFF  }
0x21: {  	[tilespmem:s17], [sflag:$0x1] =	stream.indirect.gather [hbm4b:s4+s16], $0x20, s3, s16, $0xb8;
	[tilespmem:$0x13640] =	vst v63  }
0x22: {  	s24 =	simm.s32 $0x0  }
0x23: {  	[tilespmem:s18], [sflag:$0x2] =	stream.indirect.gather [hbm4b:s4+s16], $0x20, s16, s16, $0xb8;
	[tilespmem:$0x13640] =	vst v63  }
.LBB2_2:
0x24: {  	_ =	swait.ge [sflag:s19], $0xC00  }
0x25: {  	[sflag:s19] =	ssyncset.done $0x0  }
0x26: {  	s25 =	simm.s32 $0x70;
	[sflag:s19] =	ssyncadd.s32 $0xFFFFF400  }
0x27: {  	v0 =	vld [tilespmem:s25+$0x4FD0];
	_ =	sdelay $0x4  }
0x28: {  	s26 =	simm.s32 $0x68C0;
	v1 =	vshll.u32 v0, $0x10  }
0x29: {  	v0 =	vand.u32 $0xFFFF0000, v0;
	[tilespmem:s26+$0xFFFFFF80] =	vst v1  }
0x2a: {  	[tilespmem:s26+$0xFFFFFF90] =	vst v0  }
0x2b: {  	v0 =	vld [tilespmem:s25+$0x4FE0];
	_ =	sdelay $0x4  }
0x2c: {  	v1 =	vshll.u32 v0, $0x10  }
0x2d: {  	v0 =	vand.u32 $0xFFFF0000, v0;
	[tilespmem:s26+$0xFFFFFFA0] =	vst v1  }
0x2e: {  	[tilespmem:s26+$0xFFFFFFB0] =	vst v0  }
0x2f: {  	v0 =	vld [tilespmem:s25+$0x4FF0];
	_ =	sdelay $0x4  }
0x30: {  	v1 =	vshll.u32 v0, $0x10  }
0x31: {  	v0 =	vand.u32 $0xFFFF0000, v0;
	[tilespmem:s26+$0xFFFFFFC0] =	vst v1  }
0x32: {  	[tilespmem:s26+$0xFFFFFFD0] =	vst v0  }
0x33: {  	v0 =	vld [tilespmem:s25+$0x5000];
	_ =	sdelay $0x4  }
0x34: {  	v1 =	vshll.u32 v0, $0x10  }
0x35: {  	v0 =	vand.u32 $0xFFFF0000, v0;
	[tilespmem:s26+$0xFFFFFFE0] =	vst v1  }
0x36: {  	[tilespmem:s26+$0xFFFFFFF0] =	vst v0  }
0x37: {  	v0 =	vld [tilespmem:s25+$0x5010];
	_ =	sdelay $0x4  }
0x38: {  	v1 =	vshll.u32 v0, $0x10  }
0x39: {  	v0 =	vand.u32 $0xFFFF0000, v0;
	[tilespmem:s26+$0x0] =	vst v1  }
0x3a: {  	[tilespmem:s26+$0x10] =	vst v0  }
0x3b: {  	v0 =	vld [tilespmem:s25+$0x5020];
	_ =	sdelay $0x4  }
0x3c: {  	v1 =	vshll.u32 v0, $0x10  }
0x3d: {  	v0 =	vand.u32 $0xFFFF0000, v0;
	[tilespmem:s26+$0x20] =	vst v1  }
0x3e: {  	[tilespmem:s26+$0x30] =	vst v0  }
0x3f: {  	v0 =	vld [tilespmem:s25+$0x5030];
	_ =	sdelay $0x4  }
0x40: {  	v1 =	vshll.u32 v0, $0x10  }
0x41: {  	s28 =	simm.s32 $0x3C0;
	s29 =	simm.s32 $0x68C0;
	v0 =	vand.u32 $0xFFFF0000, v0;
	[tilespmem:s26+$0x40] =	vst v1  }
.LBB2_3:
0x42: {  	p0 =	sne.s32 s28, $0x2FC0  }
0x43: {  	[tilespmem:s26+$0x50] =	vst v0;
	s29 =	sadd.s32 $0x100, s29;
	s30 =	smov.u32 s28;
	s28 =	sadd.s32 $0x200, s28  }
0x44: {  	v0 =	vld [tilespmem:s25+$0x5040];
	_ =	sdelay $0x4  }
0x45: {  	v1 =	vshll.u32 v0, $0x10;
	v0 =	vand.u32 $0xFFFF0000, v0  }
0x46: {  	[tilespmem:s26+$0x60] =	vst v1  }
0x47: {  	s25 =	sshra.s32 s30, $0x2;
	[tilespmem:s26+$0x70] =	vst v0;
	s26 =	smov.u32 s29  }
0x48: {  	v0 =	vld [tilespmem:s25+$0x4FD0];
	_ =	sdelay $0x4  }
0x49: {  	v1 =	vshll.u32 v0, $0x10;
	v0 =	vand.u32 $0xFFFF0000, v0  }
0x4a: {  	[tilespmem:s29+$0xFFFFFF80] =	vst v1  }
0x4b: {  	[tilespmem:s29+$0xFFFFFF90] =	vst v0  }
0x4c: {  	v0 =	vld [tilespmem:s25+$0x4FE0];
	_ =	sdelay $0x4  }
0x4d: {  	v1 =	vshll.u32 v0, $0x10;
	v0 =	vand.u32 $0xFFFF0000, v0  }
0x4e: {  	[tilespmem:s29+$0xFFFFFFA0] =	vst v1  }
0x4f: {  	[tilespmem:s29+$0xFFFFFFB0] =	vst v0  }
0x50: {  	v0 =	vld [tilespmem:s25+$0x4FF0];
	_ =	sdelay $0x4  }
0x51: {  	v1 =	vshll.u32 v0, $0x10;
	v0 =	vand.u32 $0xFFFF0000, v0  }
0x52: {  	[tilespmem:s29+$0xFFFFFFC0] =	vst v1  }
0x53: {  	[tilespmem:s29+$0xFFFFFFD0] =	vst v0  }
0x54: {  	v0 =	vld [tilespmem:s25+$0x5000];
	_ =	sdelay $0x4  }
0x55: {  	v1 =	vshll.u32 v0, $0x10;
	v0 =	vand.u32 $0xFFFF0000, v0  }
0x56: {  	[tilespmem:s29+$0xFFFFFFE0] =	vst v1  }
0x57: {  	[tilespmem:s29+$0xFFFFFFF0] =	vst v0  }
0x58: {  	v0 =	vld [tilespmem:s25+$0x5010];
	_ =	sdelay $0x4  }
0x59: {  	v1 =	vshll.u32 v0, $0x10;
	v0 =	vand.u32 $0xFFFF0000, v0  }
0x5a: {  	[tilespmem:s29+$0x0] =	vst v1  }
0x5b: {  	[tilespmem:s29+$0x10] =	vst v0  }
0x5c: {  	v0 =	vld [tilespmem:s25+$0x5020];
	_ =	sdelay $0x4  }
0x5d: {  	v1 =	vshll.u32 v0, $0x10;
	v0 =	vand.u32 $0xFFFF0000, v0  }
0x5e: {  	[tilespmem:s29+$0x20] =	vst v1  }
0x5f: {  	[tilespmem:s29+$0x30] =	vst v0  }
0x60: {  	v0 =	vld [tilespmem:s25+$0x5030];
	_ =	sdelay $0x1  }
.Ltmp0:
0x61: {  	(pc) =	sbr.rel @p0 .LBB2_3-.Ltmp0, $3  }
0x62: {  	_ =	sdelay $0x1  }
0x63: {  	v1 =	vshll.u32 v0, $0x10;
	v0 =	vand.u32 $0xFFFF0000, v0  }
0x64: {  	[tilespmem:s29+$0x40] =	vst v1  }
0x65: {  	[tilespmem:s26+$0x50] =	vst v0  }
0x66: {  	v0 =	vld [tilespmem:s25+$0x5040];
	_ =	sdelay $0x3  }
0x67: {  	s31 =	smul.u32 $0x300, s24  }
0x68: {  	v1 =	vshll.u32 v0, $0x10  }
0x69: {  	s25 =	sshra.s32 s31, $0x2;
	v0 =	vand.u32 $0xFFFF0000, v0;
	[tilespmem:s26+$0x60] =	vst v1  }
0x6a: {  	s31 =	sadd.s32 $0xC0, s25;
	[tilespmem:s26+$0x70] =	vst v0  }
0x6b: {  	[tilespmem:s17], [sflag:$0x1] =	stream.indirect.gather [hbm4b:s4+s16], $0x20, s31, s16, $0xb8;
	[tilespmem:$0x13640] =	vst v63  }
0x6c: {  	s31 =	sadd.s32 $0x2880, s25  }
0x6d: {  	[spmem:s2] =	stream.indirect.scatter.add.f32 [tilespmem:s20], [sflag:$0x3], $0x40, s31, s16, $0xb8;
	[tilespmem:$0x13640] =	vst v63  }
0x6e: {  	_ =	swait.ge [sflag:s12], $0x1800  }
0x6f: {  	[sflag:s12] =	ssyncset.done $0x0  }
0x70: {  	[sflag:s12] =	ssyncadd.s32 $0xFFFFE800  }
0x71: {  	_ =	swait.ge [sflag:s21], $0xC00  }
0x72: {  	[sflag:s21] =	ssyncset.done $0x0  }
0x73: {  	s28 =	simm.s32 $0x70;
	[sflag:s21] =	ssyncadd.s32 $0xFFFFF400  }
0x74: {  	v0 =	vld [tilespmem:s28+$0x5BD0];
	_ =	sdelay $0x4  }
0x75: {  	s26 =	simm.s32 $0x80C0;
	v1 =	vshll.u32 v0, $0x10  }
0x76: {  	v0 =	vand.u32 $0xFFFF0000, v0;
	[tilespmem:s26+$0xFFFFFF80] =	vst v1  }
0x77: {  	[tilespmem:s26+$0xFFFFFF90] =	vst v0  }
0x78: {  	v0 =	vld [tilespmem:s28+$0x5BE0];
	_ =	sdelay $0x4  }
0x79: {  	v1 =	vshll.u32 v0, $0x10  }
0x7a: {  	v0 =	vand.u32 $0xFFFF0000, v0;
	[tilespmem:s26+$0xFFFFFFA0] =	vst v1  }
0x7b: {  	[tilespmem:s26+$0xFFFFFFB0] =	vst v0  }
0x7c: {  	v0 =	vld [tilespmem:s28+$0x5BF0];
	_ =	sdelay $0x4  }
0x7d: {  	v1 =	vshll.u32 v0, $0x10  }
0x7e: {  	v0 =	vand.u32 $0xFFFF0000, v0;
	[tilespmem:s26+$0xFFFFFFC0] =	vst v1  }
0x7f: {  	[tilespmem:s26+$0xFFFFFFD0] =	vst v0  }
0x80: {  	v0 =	vld [tilespmem:s28+$0x5C00];
	_ =	sdelay $0x4  }
0x81: {  	v1 =	vshll.u32 v0, $0x10  }
0x82: {  	v0 =	vand.u32 $0xFFFF0000, v0;
	[tilespmem:s26+$0xFFFFFFE0] =	vst v1  }
0x83: {  	[tilespmem:s26+$0xFFFFFFF0] =	vst v0  }
0x84: {  	v0 =	vld [tilespmem:s28+$0x5C10];
	_ =	sdelay $0x4  }
0x85: {  	v1 =	vshll.u32 v0, $0x10  }
0x86: {  	v0 =	vand.u32 $0xFFFF0000, v0;
	[tilespmem:s26+$0x0] =	vst v1  }
0x87: {  	[tilespmem:s26+$0x10] =	vst v0  }
0x88: {  	v0 =	vld [tilespmem:s28+$0x5C20];
	_ =	sdelay $0x4  }
0x89: {  	v1 =	vshll.u32 v0, $0x10  }
0x8a: {  	v0 =	vand.u32 $0xFFFF0000, v0;
	[tilespmem:s26+$0x20] =	vst v1  }
0x8b: {  	[tilespmem:s26+$0x30] =	vst v0  }
0x8c: {  	v0 =	vld [tilespmem:s28+$0x5C30];
	_ =	sdelay $0x4  }
0x8d: {  	v1 =	vshll.u32 v0, $0x10  }
0x8e: {  	s29 =	simm.s32 $0x3C0;
	s30 =	simm.s32 $0x80C0;
	v0 =	vand.u32 $0xFFFF0000, v0;
	[tilespmem:s26+$0x40] =	vst v1  }
.LBB2_5:
0x8f: {  	p0 =	sne.s32 s29, $0x2FC0  }
0x90: {  	[tilespmem:s26+$0x50] =	vst v0;
	s30 =	sadd.s32 $0x100, s30;
	s31 =	smov.u32 s29;
	s29 =	sadd.s32 $0x200, s29  }
0x91: {  	v0 =	vld [tilespmem:s28+$0x5C40];
	_ =	sdelay $0x4  }
0x92: {  	v1 =	vshll.u32 v0, $0x10;
	v0 =	vand.u32 $0xFFFF0000, v0  }
0x93: {  	[tilespmem:s26+$0x60] =	vst v1  }
0x94: {  	s28 =	sshra.s32 s31, $0x2;
	[tilespmem:s26+$0x70] =	vst v0;
	s26 =	smov.u32 s30  }
0x95: {  	v0 =	vld [tilespmem:s28+$0x5BD0];
	_ =	sdelay $0x4  }
0x96: {  	v1 =	vshll.u32 v0, $0x10;
	v0 =	vand.u32 $0xFFFF0000, v0  }
0x97: {  	[tilespmem:s30+$0xFFFFFF80] =	vst v1  }
0x98: {  	[tilespmem:s30+$0xFFFFFF90] =	vst v0  }
0x99: {  	v0 =	vld [tilespmem:s28+$0x5BE0];
	_ =	sdelay $0x4  }
0x9a: {  	v1 =	vshll.u32 v0, $0x10;
	v0 =	vand.u32 $0xFFFF0000, v0  }
0x9b: {  	[tilespmem:s30+$0xFFFFFFA0] =	vst v1  }
0x9c: {  	[tilespmem:s30+$0xFFFFFFB0] =	vst v0  }
0x9d: {  	v0 =	vld [tilespmem:s28+$0x5BF0];
	_ =	sdelay $0x4  }
0x9e: {  	v1 =	vshll.u32 v0, $0x10;
	v0 =	vand.u32 $0xFFFF0000, v0  }
0x9f: {  	[tilespmem:s30+$0xFFFFFFC0] =	vst v1  }
0xa0: {  	[tilespmem:s30+$0xFFFFFFD0] =	vst v0  }
0xa1: {  	v0 =	vld [tilespmem:s28+$0x5C00];
	_ =	sdelay $0x4  }
0xa2: {  	v1 =	vshll.u32 v0, $0x10;
	v0 =	vand.u32 $0xFFFF0000, v0  }
0xa3: {  	[tilespmem:s30+$0xFFFFFFE0] =	vst v1  }
0xa4: {  	[tilespmem:s30+$0xFFFFFFF0] =	vst v0  }
0xa5: {  	v0 =	vld [tilespmem:s28+$0x5C10];
	_ =	sdelay $0x4  }
0xa6: {  	v1 =	vshll.u32 v0, $0x10;
	v0 =	vand.u32 $0xFFFF0000, v0  }
0xa7: {  	[tilespmem:s30+$0x0] =	vst v1  }
0xa8: {  	[tilespmem:s30+$0x10] =	vst v0  }
0xa9: {  	v0 =	vld [tilespmem:s28+$0x5C20];
	_ =	sdelay $0x4  }
0xaa: {  	v1 =	vshll.u32 v0, $0x10;
	v0 =	vand.u32 $0xFFFF0000, v0  }
0xab: {  	[tilespmem:s30+$0x20] =	vst v1  }
0xac: {  	[tilespmem:s30+$0x30] =	vst v0  }
0xad: {  	v0 =	vld [tilespmem:s28+$0x5C30];
	_ =	sdelay $0x1  }
.Ltmp1:
0xae: {  	(pc) =	sbr.rel @p0 .LBB2_5-.Ltmp1, $3  }
0xaf: {  	_ =	sdelay $0x1  }
0xb0: {  	v1 =	vshll.u32 v0, $0x10;
	v0 =	vand.u32 $0xFFFF0000, v0  }
0xb1: {  	[tilespmem:s30+$0x40] =	vst v1  }
0xb2: {  	[tilespmem:s26+$0x50] =	vst v0  }
0xb3: {  	v0 =	vld [tilespmem:s28+$0x5C40];
	_ =	sdelay $0x4  }
0xb4: {  	v1 =	vshll.u32 v0, $0x10  }
0xb5: {  	s24 =	sadd.s32 $0x1, s24;
	v0 =	vand.u32 $0xFFFF0000, v0;
	[tilespmem:s26+$0x60] =	vst v1  }
0xb6: {  	s30 =	sadd.s32 $0x120, s25;
	p0 =	sne.s32 s24, $0x35;
	[tilespmem:s26+$0x70] =	vst v0  }
0xb7: {  	[tilespmem:s18], [sflag:$0x2] =	stream.indirect.gather [hbm4b:s4+s16], $0x20, s30, s16, $0xb8;
	[tilespmem:$0x13640] =	vst v63  }
.Ltmp2:
0xb8: {  	s31 =	sadd.s32 $0x28E0, s25;
	(pc) =	sbr.rel @p0 .LBB2_2-.Ltmp2, $4  }
0xb9: {  	[spmem:s2] =	stream.indirect.scatter.add.f32 [tilespmem:s22], [sflag:$0x3], $0x40, s31, s16, $0xb8;
	[tilespmem:$0x13640] =	vst v63  }
0xba: {  	_ =	swait.ge [sflag:s12], $0x1800  }
0xbb: {  	[sflag:s12] =	ssyncset.done $0x0  }
0xbc: {  	[sflag:s12] =	ssyncadd.s32 $0xFFFFE800  }
0xbd: {  	_ =	swait.ge [sflag:s19], $0xC00  }
0xbe: {  	[sflag:s19] =	ssyncset.done $0x0  }
0xbf: {  	[sflag:s19] =	ssyncadd.s32 $0xFFFFF400  }
0xc0: {  	_ =	swait.ge [sflag:s21], $0xC00  }
0xc1: {  	[sflag:s21] =	ssyncset.done $0x0  }
0xc2: {  	[sflag:s21] =	ssyncadd.s32 $0xFFFFF400  }
0xc3: {  	[bflag:$0x0] =	sbarrier.arrive $0xFFFF  }
0xc4: {  	[hbm:s8], [sflag:s14] =	dma.local [spmem:s15], $0x13C0  }
0xc5: {  	_ =	swait.ge [sflag:s12], $0x13C0  }
0xc6: {  	[sflag:s12] =	ssyncset.done $0x0  }
0xc7: {  	[sflag:s12] =	ssyncadd.s32 $0xFFFFEC40  }
0xc8: {  	[spmem:s15], [sflag:s14] =	dma.local [hbm:s7], $0x13C0  }
0xc9: {  	_ =	swait.ge [sflag:s12], $0x13C0  }
0xca: {  	[sflag:s12] =	ssyncset.done $0x0  }
0xcb: {  	[sflag:s12] =	ssyncadd.s32 $0xFFFFEC40  }
0xcc: {  	s24 =	simm.s32 $0x0;
	[bflag:$0x0] =	sbarrier.arrive $0xFFFF  }
0xcd: {  	[tilespmem:s17], [sflag:$0x1] =	stream.indirect.gather [hbm4b:s9+s16], $0x20, s24, s16, $0xb8;
	[tilespmem:$0x13640] =	vst v63  }
0xce: {  	_ = 	snop  }
0xcf: {  	[tilespmem:s18], [sflag:$0x2] =	stream.indirect.gather [hbm4b:s9+s16], $0x20, s16, s16, $0xb8;
	[tilespmem:$0x13640] =	vst v63  }
.LBB2_8:
0xd0: {  	_ =	swait.ge [sflag:s19], $0xC00  }
0xd1: {  	[sflag:s19] =	ssyncset.done $0x0  }
0xd2: {  	s25 =	simm.s32 $0x70;
	[sflag:s19] =	ssyncadd.s32 $0xFFFFF400  }
0xd3: {  	v0 =	vld [tilespmem:s25+$0x4FD0];
	_ =	sdelay $0x4  }
0xd4: {  	s26 =	simm.s32 $0x68C0;
	v1 =	vshll.u32 v0, $0x10  }
0xd5: {  	v0 =	vand.u32 $0xFFFF0000, v0;
	[tilespmem:s26+$0xFFFFFF80] =	vst v1  }
0xd6: {  	[tilespmem:s26+$0xFFFFFF90] =	vst v0  }
0xd7: {  	v0 =	vld [tilespmem:s25+$0x4FE0];
	_ =	sdelay $0x4  }
0xd8: {  	v1 =	vshll.u32 v0, $0x10  }
0xd9: {  	v0 =	vand.u32 $0xFFFF0000, v0;
	[tilespmem:s26+$0xFFFFFFA0] =	vst v1  }
0xda: {  	[tilespmem:s26+$0xFFFFFFB0] =	vst v0  }
0xdb: {  	v0 =	vld [tilespmem:s25+$0x4FF0];
	_ =	sdelay $0x4  }
0xdc: {  	v1 =	vshll.u32 v0, $0x10  }
0xdd: {  	v0 =	vand.u32 $0xFFFF0000, v0;
	[tilespmem:s26+$0xFFFFFFC0] =	vst v1  }
0xde: {  	[tilespmem:s26+$0xFFFFFFD0] =	vst v0  }
0xdf: {  	v0 =	vld [tilespmem:s25+$0x5000];
	_ =	sdelay $0x4  }
0xe0: {  	v1 =	vshll.u32 v0, $0x10  }
0xe1: {  	v0 =	vand.u32 $0xFFFF0000, v0;
	[tilespmem:s26+$0xFFFFFFE0] =	vst v1  }
0xe2: {  	[tilespmem:s26+$0xFFFFFFF0] =	vst v0  }
0xe3: {  	v0 =	vld [tilespmem:s25+$0x5010];
	_ =	sdelay $0x4  }
0xe4: {  	v1 =	vshll.u32 v0, $0x10  }
0xe5: {  	v0 =	vand.u32 $0xFFFF0000, v0;
	[tilespmem:s26+$0x0] =	vst v1  }
0xe6: {  	[tilespmem:s26+$0x10] =	vst v0  }
0xe7: {  	v0 =	vld [tilespmem:s25+$0x5020];
	_ =	sdelay $0x4  }
0xe8: {  	v1 =	vshll.u32 v0, $0x10  }
0xe9: {  	v0 =	vand.u32 $0xFFFF0000, v0;
	[tilespmem:s26+$0x20] =	vst v1  }
0xea: {  	[tilespmem:s26+$0x30] =	vst v0  }
0xeb: {  	v0 =	vld [tilespmem:s25+$0x5030];
	_ =	sdelay $0x4  }
0xec: {  	v1 =	vshll.u32 v0, $0x10  }
0xed: {  	s28 =	simm.s32 $0x3C0;
	s29 =	simm.s32 $0x68C0;
	v0 =	vand.u32 $0xFFFF0000, v0;
	[tilespmem:s26+$0x40] =	vst v1  }
.LBB2_9:
0xee: {  	p0 =	sne.s32 s28, $0x2FC0  }
0xef: {  	[tilespmem:s26+$0x50] =	vst v0;
	s29 =	sadd.s32 $0x100, s29;
	s30 =	smov.u32 s28;
	s28 =	sadd.s32 $0x200, s28  }
0xf0: {  	v0 =	vld [tilespmem:s25+$0x5040];
	_ =	sdelay $0x4  }
0xf1: {  	v1 =	vshll.u32 v0, $0x10;
	v0 =	vand.u32 $0xFFFF0000, v0  }
0xf2: {  	[tilespmem:s26+$0x60] =	vst v1  }
0xf3: {  	s25 =	sshra.s32 s30, $0x2;
	[tilespmem:s26+$0x70] =	vst v0;
	s26 =	smov.u32 s29  }
0xf4: {  	v0 =	vld [tilespmem:s25+$0x4FD0];
	_ =	sdelay $0x4  }
0xf5: {  	v1 =	vshll.u32 v0, $0x10;
	v0 =	vand.u32 $0xFFFF0000, v0  }
0xf6: {  	[tilespmem:s29+$0xFFFFFF80] =	vst v1  }
0xf7: {  	[tilespmem:s29+$0xFFFFFF90] =	vst v0  }
0xf8: {  	v0 =	vld [tilespmem:s25+$0x4FE0];
	_ =	sdelay $0x4  }
0xf9: {  	v1 =	vshll.u32 v0, $0x10;
	v0 =	vand.u32 $0xFFFF0000, v0  }
0xfa: {  	[tilespmem:s29+$0xFFFFFFA0] =	vst v1  }
0xfb: {  	[tilespmem:s29+$0xFFFFFFB0] =	vst v0  }
0xfc: {  	v0 =	vld [tilespmem:s25+$0x4FF0];
	_ =	sdelay $0x4  }
0xfd: {  	v1 =	vshll.u32 v0, $0x10;
	v0 =	vand.u32 $0xFFFF0000, v0  }
0xfe: {  	[tilespmem:s29+$0xFFFFFFC0] =	vst v1  }
0xff: {  	[tilespmem:s29+$0xFFFFFFD0] =	vst v0  }
0x100: {  	v0 =	vld [tilespmem:s25+$0x5000];
	_ =	sdelay $0x4  }
0x101: {  	v1 =	vshll.u32 v0, $0x10;
	v0 =	vand.u32 $0xFFFF0000, v0  }
0x102: {  	[tilespmem:s29+$0xFFFFFFE0] =	vst v1  }
0x103: {  	[tilespmem:s29+$0xFFFFFFF0] =	vst v0  }
0x104: {  	v0 =	vld [tilespmem:s25+$0x5010];
	_ =	sdelay $0x4  }
0x105: {  	v1 =	vshll.u32 v0, $0x10;
	v0 =	vand.u32 $0xFFFF0000, v0  }
0x106: {  	[tilespmem:s29+$0x0] =	vst v1  }
0x107: {  	[tilespmem:s29+$0x10] =	vst v0  }
0x108: {  	v0 =	vld [tilespmem:s25+$0x5020];
	_ =	sdelay $0x4  }
0x109: {  	v1 =	vshll.u32 v0, $0x10;
	v0 =	vand.u32 $0xFFFF0000, v0  }
0x10a: {  	[tilespmem:s29+$0x20] =	vst v1  }
0x10b: {  	[tilespmem:s29+$0x30] =	vst v0  }
0x10c: {  	v0 =	vld [tilespmem:s25+$0x5030];
	_ =	sdelay $0x1  }
.Ltmp3:
0x10d: {  	(pc) =	sbr.rel @p0 .LBB2_9-.Ltmp3, $3  }
0x10e: {  	_ =	sdelay $0x1  }
0x10f: {  	v1 =	vshll.u32 v0, $0x10;
	v0 =	vand.u32 $0xFFFF0000, v0  }
0x110: {  	[tilespmem:s29+$0x40] =	vst v1  }
0x111: {  	[tilespmem:s26+$0x50] =	vst v0  }
0x112: {  	v0 =	vld [tilespmem:s25+$0x5040];
	_ =	sdelay $0x3  }
0x113: {  	s31 =	smul.u32 $0x300, s24  }
0x114: {  	v1 =	vshll.u32 v0, $0x10  }
0x115: {  	s25 =	sshra.s32 s31, $0x2;
	v0 =	vand.u32 $0xFFFF0000, v0;
	[tilespmem:s26+$0x60] =	vst v1  }
0x116: {  	s31 =	sadd.s32 $0xC0, s25;
	[tilespmem:s26+$0x70] =	vst v0  }
0x117: {  	[tilespmem:s17], [sflag:$0x1] =	stream.indirect.gather [hbm4b:s9+s16], $0x20, s31, s16, $0xb8;
	[tilespmem:$0x13640] =	vst v63  }
0x118: {  	s31 =	sadd.s32 $0x2880, s25  }
0x119: {  	[spmem:s2] =	stream.indirect.scatter.add.f32 [tilespmem:s20], [sflag:$0x3], $0x40, s31, s16, $0xb8;
	[tilespmem:$0x13640] =	vst v63  }
0x11a: {  	_ =	swait.ge [sflag:s12], $0x1800  }
0x11b: {  	[sflag:s12] =	ssyncset.done $0x0  }
0x11c: {  	[sflag:s12] =	ssyncadd.s32 $0xFFFFE800  }
0x11d: {  	_ =	swait.ge [sflag:s21], $0xC00  }
0x11e: {  	[sflag:s21] =	ssyncset.done $0x0  }
0x11f: {  	s28 =	simm.s32 $0x70;
	[sflag:s21] =	ssyncadd.s32 $0xFFFFF400  }
0x120: {  	v0 =	vld [tilespmem:s28+$0x5BD0];
	_ =	sdelay $0x4  }
0x121: {  	s26 =	simm.s32 $0x80C0;
	v1 =	vshll.u32 v0, $0x10  }
0x122: {  	v0 =	vand.u32 $0xFFFF0000, v0;
	[tilespmem:s26+$0xFFFFFF80] =	vst v1  }
0x123: {  	[tilespmem:s26+$0xFFFFFF90] =	vst v0  }
0x124: {  	v0 =	vld [tilespmem:s28+$0x5BE0];
	_ =	sdelay $0x4  }
0x125: {  	v1 =	vshll.u32 v0, $0x10  }
0x126: {  	v0 =	vand.u32 $0xFFFF0000, v0;
	[tilespmem:s26+$0xFFFFFFA0] =	vst v1  }
0x127: {  	[tilespmem:s26+$0xFFFFFFB0] =	vst v0  }
0x128: {  	v0 =	vld [tilespmem:s28+$0x5BF0];
	_ =	sdelay $0x4  }
0x129: {  	v1 =	vshll.u32 v0, $0x10  }
0x12a: {  	v0 =	vand.u32 $0xFFFF0000, v0;
	[tilespmem:s26+$0xFFFFFFC0] =	vst v1  }
0x12b: {  	[tilespmem:s26+$0xFFFFFFD0] =	vst v0  }
0x12c: {  	v0 =	vld [tilespmem:s28+$0x5C00];
	_ =	sdelay $0x4  }
0x12d: {  	v1 =	vshll.u32 v0, $0x10  }
0x12e: {  	v0 =	vand.u32 $0xFFFF0000, v0;
	[tilespmem:s26+$0xFFFFFFE0] =	vst v1  }
0x12f: {  	[tilespmem:s26+$0xFFFFFFF0] =	vst v0  }
0x130: {  	v0 =	vld [tilespmem:s28+$0x5C10];
	_ =	sdelay $0x4  }
0x131: {  	v1 =	vshll.u32 v0, $0x10  }
0x132: {  	v0 =	vand.u32 $0xFFFF0000, v0;
	[tilespmem:s26+$0x0] =	vst v1  }
0x133: {  	[tilespmem:s26+$0x10] =	vst v0  }
0x134: {  	v0 =	vld [tilespmem:s28+$0x5C20];
	_ =	sdelay $0x4  }
0x135: {  	v1 =	vshll.u32 v0, $0x10  }
0x136: {  	v0 =	vand.u32 $0xFFFF0000, v0;
	[tilespmem:s26+$0x20] =	vst v1  }
0x137: {  	[tilespmem:s26+$0x30] =	vst v0  }
0x138: {  	v0 =	vld [tilespmem:s28+$0x5C30];
	_ =	sdelay $0x4  }
0x139: {  	v1 =	vshll.u32 v0, $0x10  }
0x13a: {  	s29 =	simm.s32 $0x3C0;
	s30 =	simm.s32 $0x80C0;
	v0 =	vand.u32 $0xFFFF0000, v0;
	[tilespmem:s26+$0x40] =	vst v1  }
.LBB2_11:
0x13b: {  	p0 =	sne.s32 s29, $0x2FC0  }
0x13c: {  	[tilespmem:s26+$0x50] =	vst v0;
	s30 =	sadd.s32 $0x100, s30;
	s31 =	smov.u32 s29;
	s29 =	sadd.s32 $0x200, s29  }
0x13d: {  	v0 =	vld [tilespmem:s28+$0x5C40];
	_ =	sdelay $0x4  }
0x13e: {  	v1 =	vshll.u32 v0, $0x10;
	v0 =	vand.u32 $0xFFFF0000, v0  }
0x13f: {  	[tilespmem:s26+$0x60] =	vst v1  }
0x140: {  	s28 =	sshra.s32 s31, $0x2;
	[tilespmem:s26+$0x70] =	vst v0;
	s26 =	smov.u32 s30  }
0x141: {  	v0 =	vld [tilespmem:s28+$0x5BD0];
	_ =	sdelay $0x4  }
0x142: {  	v1 =	vshll.u32 v0, $0x10;
	v0 =	vand.u32 $0xFFFF0000, v0  }
0x143: {  	[tilespmem:s30+$0xFFFFFF80] =	vst v1  }
0x144: {  	[tilespmem:s30+$0xFFFFFF90] =	vst v0  }
0x145: {  	v0 =	vld [tilespmem:s28+$0x5BE0];
	_ =	sdelay $0x4  }
0x146: {  	v1 =	vshll.u32 v0, $0x10;
	v0 =	vand.u32 $0xFFFF0000, v0  }
0x147: {  	[tilespmem:s30+$0xFFFFFFA0] =	vst v1  }
0x148: {  	[tilespmem:s30+$0xFFFFFFB0] =	vst v0  }
0x149: {  	v0 =	vld [tilespmem:s28+$0x5BF0];
	_ =	sdelay $0x4  }
0x14a: {  	v1 =	vshll.u32 v0, $0x10;
	v0 =	vand.u32 $0xFFFF0000, v0  }
0x14b: {  	[tilespmem:s30+$0xFFFFFFC0] =	vst v1  }
0x14c: {  	[tilespmem:s30+$0xFFFFFFD0] =	vst v0  }
0x14d: {  	v0 =	vld [tilespmem:s28+$0x5C00];
	_ =	sdelay $0x4  }
0x14e: {  	v1 =	vshll.u32 v0, $0x10;
	v0 =	vand.u32 $0xFFFF0000, v0  }
0x14f: {  	[tilespmem:s30+$0xFFFFFFE0] =	vst v1  }
0x150: {  	[tilespmem:s30+$0xFFFFFFF0] =	vst v0  }
0x151: {  	v0 =	vld [tilespmem:s28+$0x5C10];
	_ =	sdelay $0x4  }
0x152: {  	v1 =	vshll.u32 v0, $0x10;
	v0 =	vand.u32 $0xFFFF0000, v0  }
0x153: {  	[tilespmem:s30+$0x0] =	vst v1  }
0x154: {  	[tilespmem:s30+$0x10] =	vst v0  }
0x155: {  	v0 =	vld [tilespmem:s28+$0x5C20];
	_ =	sdelay $0x4  }
0x156: {  	v1 =	vshll.u32 v0, $0x10;
	v0 =	vand.u32 $0xFFFF0000, v0  }
0x157: {  	[tilespmem:s30+$0x20] =	vst v1  }
0x158: {  	[tilespmem:s30+$0x30] =	vst v0  }
0x159: {  	v0 =	vld [tilespmem:s28+$0x5C30];
	_ =	sdelay $0x1  }
.Ltmp4:
0x15a: {  	(pc) =	sbr.rel @p0 .LBB2_11-.Ltmp4, $3  }
0x15b: {  	_ =	sdelay $0x1  }
0x15c: {  	v1 =	vshll.u32 v0, $0x10;
	v0 =	vand.u32 $0xFFFF0000, v0  }
0x15d: {  	[tilespmem:s30+$0x40] =	vst v1  }
0x15e: {  	[tilespmem:s26+$0x50] =	vst v0  }
0x15f: {  	v0 =	vld [tilespmem:s28+$0x5C40];
	_ =	sdelay $0x4  }
0x160: {  	v1 =	vshll.u32 v0, $0x10  }
0x161: {  	s24 =	sadd.s32 $0x1, s24;
	v0 =	vand.u32 $0xFFFF0000, v0;
	[tilespmem:s26+$0x60] =	vst v1  }
0x162: {  	s30 =	sadd.s32 $0x120, s25;
	p0 =	sne.s32 s24, $0x35;
	[tilespmem:s26+$0x70] =	vst v0  }
0x163: {  	[tilespmem:s18], [sflag:$0x2] =	stream.indirect.gather [hbm4b:s9+s16], $0x20, s30, s16, $0xb8;
	[tilespmem:$0x13640] =	vst v63  }
.Ltmp5:
0x164: {  	s31 =	sadd.s32 $0x28E0, s25;
	(pc) =	sbr.rel @p0 .LBB2_8-.Ltmp5, $4  }
0x165: {  	[spmem:s2] =	stream.indirect.scatter.add.f32 [tilespmem:s22], [sflag:$0x3], $0x40, s31, s16, $0xb8;
	[tilespmem:$0x13640] =	vst v63  }
0x166: {  	_ =	swait.ge [sflag:s12], $0x1800  }
0x167: {  	[sflag:s12] =	ssyncset.done $0x0  }
0x168: {  	[sflag:s12] =	ssyncadd.s32 $0xFFFFE800  }
0x169: {  	_ =	swait.ge [sflag:s19], $0xC00  }
0x16a: {  	[sflag:s19] =	ssyncset.done $0x0  }
0x16b: {  	[sflag:s19] =	ssyncadd.s32 $0xFFFFF400  }
0x16c: {  	_ =	swait.ge [sflag:s21], $0xC00  }
0x16d: {  	s23 =	sadd.s32 $0x1, s23;
	[sflag:s21] =	ssyncset.done $0x0  }
0x16e: {  	p0 =	sne.s32 s23, s11;
	[sflag:s21] =	ssyncadd.s32 $0xFFFFF400  }
.Ltmp6:
0x16f: {  	[bflag:$0x0] =	sbarrier.arrive $0xFFFF;
	(pc) =	sbr.rel @p0 .LBB2_1-.Ltmp6, $4  }
0x170: {  	[hbm:s10], [sflag:s14] =	dma.local [spmem:s15], $0x13C0  }
0x171: {  	_ =	swait.ge [sflag:s12], $0x13C0  }
0x172: {  	[sflag:s12] =	ssyncset.done $0x0  }
0x173: {  	[sflag:s12] =	ssyncadd.s32 $0xFFFFEC40  }
0x174: {  	_ =	sfence.sel $0x180000  }
0x175: {  	[bflag:$0x0] =	sbarrier.arrive $0xFFFF  }
0x176: {  	p0 =	sne.s32 s0, $0x0;
	_ =	strace $0x90000047  }
0x177: {  	s0 =	sadd.s32 @!p0 $0x100000, s1;
	[bflag:$0x2] =	sbarrier.arrive $0xFFFF  }
0x178: {  	[sflag:s0] =	ssyncadd.tile.s32 @!p0 $0x1;
	_ =	shalt  }
.Lfunc_end2:
_tile_overlayer_lowered:
.L_overlay_start_2:
0x179: {  	(tag) =	ssettag $0x2  }
0x17a: {  	s0 =	rddreg [dreg:$0x0];
	s2 =	stileid.u32  }
0x17b: {  	s1 =	rddreg [dreg:$0x1];
	p0 =	sne.s32 s2, $0x0  }
0x17c: {  	s3 =	rddreg [dreg:$0x2];
	[bflag:$0x3] =	sbarrier.arrive $0xFFFF;
	s2 =	simm.s32 @!p0 $0x1C03  }
0x17d: {  	[timem:s3], [sflag:s2] =	dma.local @!p0 [hbm:s0], s1  }
0x17e: {  	s0 =	simm.s32 @!p0 $0x3  }
0x17f: {  	_ =	swait.ge @!p0 [sflag:s0], s1  }
0x180: {  	s1 =	ssub.s32 @!p0 $0x0, s1;
	[sflag:s0] =	ssyncset.done @!p0 $0x0  }
0x181: {  	[sflag:s0] =	ssyncadd.s32 @!p0 s1  }
0x182: {  	[bflag:$0x3] =	sbarrier.arrive $0xFFFF  }
0x183: {  	_ =	shalt  }

</sc_bundles>
